<compile_context>
chip_gen: v7x
topology: tpu7x:2x2x1
jax: 0.10.2.dev20260603
libtpu: 0.0.44.dev20260713+nightly
codegen_flags: <defaults>
</compile_context>

<pallas_src>
import functools

import jax
import jax.numpy as jnp
from jax import lax
from jax.experimental import pallas as pl
from jax.experimental.pallas import tpu as pltpu
from jax.experimental.pallas import tpu_sc as plsc

_NUM_EXPERTS = 8
_TOP_K = 2
_ALPHA = 0.001
_BLOCK = 4096
_LANES = 16


def _logits_kernel(x_ref, w_ref, out_ref):
    out_ref[...] = lax.dot_general(
        w_ref[...], x_ref[...],
        dimension_numbers=(((1,), (1,)), ((), ())),
        preferred_element_type=jnp.float32,
    )


def _route_kernel(logits_hbm, wt_hbm, id_hbm, part_hbm,
                  logits_v, wt_v, id_v, part_v, *, tokens_per_tile):
    nc = 2
    wid = lax.axis_index("s") * nc + lax.axis_index("c")
    base = wid * tokens_per_tile
    pltpu.sync_copy(logits_hbm.at[:, pl.ds(base, tokens_per_tile)], logits_v)

    zero16 = jnp.zeros((_LANES,), jnp.float32)

    def group(g, carry):
        cnt_acc, psum_acc = carry
        t = g * _LANES
        l = [logits_v[e, pl.ds(t, _LANES)] for e in range(_NUM_EXPERTS)]

        m1 = l[0]
        i1 = jnp.zeros((_LANES,), jnp.int32)
        for e in range(1, _NUM_EXPERTS):
            c = l[e] > m1
            m1 = jnp.where(c, l[e], m1)
            i1 = jnp.where(c, e, i1)

        p = [jnp.exp(le - m1) for le in l]
        s = p[0]
        for e in range(1, _NUM_EXPERTS):
            s = s + p[e]
        inv_s = 1.0 / s

        pm2 = jnp.full((_LANES,), -1.0, jnp.float32)
        i2 = jnp.zeros((_LANES,), jnp.int32)
        for e in range(_NUM_EXPERTS):
            c = jnp.logical_and(i1 != e, p[e] > pm2)
            pm2 = jnp.where(c, p[e], pm2)
            i2 = jnp.where(c, e, i2)

        w1 = 1.0 / (1.0 + pm2)
        wt_v[0, pl.ds(t, _LANES)] = w1
        wt_v[1, pl.ds(t, _LANES)] = pm2 * w1
        id_v[0, pl.ds(t, _LANES)] = i1
        id_v[1, pl.ds(t, _LANES)] = i2

        one = jnp.ones((_LANES,), jnp.float32)
        new_cnt = []
        new_psum = []
        for e in range(_NUM_EXPERTS):
            hits = jnp.where(i1 == e, one, zero16) + jnp.where(i2 == e, one, zero16)
            new_cnt.append(cnt_acc[e] + hits)
            new_psum.append(psum_acc[e] + p[e] * inv_s)
        return new_cnt, new_psum

    init = ([zero16] * _NUM_EXPERTS, [zero16] * _NUM_EXPERTS)
    cnt_acc, psum_acc = lax.fori_loop(0, tokens_per_tile // _LANES, group, init)

    for e in range(_NUM_EXPERTS):
        part_v[e, :] = cnt_acc[e]
        part_v[e + _NUM_EXPERTS, :] = psum_acc[e]

    pltpu.sync_copy(wt_v, wt_hbm.at[:, pl.ds(base, tokens_per_tile)])
    pltpu.sync_copy(id_v, id_hbm.at[:, pl.ds(base, tokens_per_tile)])
    pltpu.sync_copy(part_v, part_hbm.at[wid])


def _aux_kernel(part_ref, aux_ref, *, num_tokens, num_tiles):
    s = part_ref[0, :, :]
    for t in range(1, num_tiles):
        s = s + part_ref[t, :, :]
    cnt_tot = jnp.sum(s[0:_NUM_EXPERTS, :], axis=1, keepdims=True)
    psum_tot = jnp.sum(s[_NUM_EXPERTS:, :], axis=1, keepdims=True)
    scale = _ALPHA * _NUM_EXPERTS / (num_tokens * _TOP_K * num_tokens)
    r = cnt_tot * psum_tot
    aux_ref[...] = jnp.sum(r, axis=0, keepdims=True) * scale


def kernel(hidden_states, W):
    n, h = hidden_states.shape
    e = W.shape[0]
    nw = 32
    tpt = n // nw

    logits = pl.pallas_call(
        _logits_kernel,
        grid=(n // _BLOCK,),
        in_specs=[
            pl.BlockSpec((_BLOCK, h), lambda i: (i, 0)),
            pl.BlockSpec((e, h), lambda i: (0, 0)),
        ],
        out_specs=pl.BlockSpec((e, _BLOCK), lambda i: (0, i)),
        out_shape=jax.ShapeDtypeStruct((e, n), jnp.float32),
        compiler_params=pltpu.CompilerParams(
            dimension_semantics=("arbitrary",),
        ),
    )(hidden_states, W)

    route = functools.partial(
        pl.kernel,
        mesh=plsc.VectorSubcoreMesh(core_axis_name="c", subcore_axis_name="s"),
        out_type=[
            jax.ShapeDtypeStruct((_TOP_K, n), jnp.float32),
            jax.ShapeDtypeStruct((_TOP_K, n), jnp.int32),
            jax.ShapeDtypeStruct((nw, _LANES, _LANES), jnp.float32),
        ],
        scratch_types=[
            pltpu.VMEM((e, tpt), jnp.float32),
            pltpu.VMEM((_TOP_K, tpt), jnp.float32),
            pltpu.VMEM((_TOP_K, tpt), jnp.int32),
            pltpu.VMEM((_LANES, _LANES), jnp.float32),
        ],
    )(functools.partial(_route_kernel, tokens_per_tile=tpt))
    wt, ids, partials = route(logits)

    aux = pl.pallas_call(
        functools.partial(_aux_kernel, num_tokens=n, num_tiles=nw),
        in_specs=[pl.BlockSpec((nw, _LANES, _LANES), lambda: (0, 0, 0))],
        out_specs=pl.BlockSpec((1, 1), lambda: (0, 0)),
        out_shape=jax.ShapeDtypeStruct((1, 1), jnp.float32),
    )(partials)

    return wt.T, ids.T, aux[0, 0]

# --- scband reference (transcript-rebuilt; emitter-appended) ---
"""Pipeline reference for scband-mo-egate-71176198029864 (READ-ONLY COPY).

The authoritative reference and input builder live on the scoring server;
editing this copy changes nothing except your own understanding.
"""

import jax, jax.numpy as jnp
import numpy as np

NUM_EXPERTS = 8
TOP_K = 2
ALPHA = 0.001
HIDDEN = 768
NUM_TOKENS = 32768


def setup_inputs(seed: int = 0) -> dict:
    key = jax.random.key(seed)
    k1, k2 = jax.random.split(key)
    hidden_states = jax.random.normal(k1, (NUM_TOKENS, HIDDEN), dtype=jnp.float32)
    # nn.Linear(hidden_size, num_experts, bias=False) weight has shape (num_experts, hidden_size)
    W = jax.random.normal(k2, (NUM_EXPERTS, HIDDEN), dtype=jnp.float32) * 0.02
    return {"hidden_states": hidden_states, "W": W}


def reference(hidden_states, W):
    # logits = Linear(hidden_states) = hidden_states @ W.T
    logits = hidden_states @ W.T
    scores = jax.nn.softmax(logits, axis=-1)
    # torch.topk(sorted=False) returns the same set of values/indices; lax.top_k sorts them,
    # which is an equivalent faithful selection (downstream math is order-invariant).
    topk_weights, topk_indices = jax.lax.top_k(scores, TOP_K)
    topk_weights = topk_weights / jnp.sum(topk_weights, axis=-1, keepdims=True)
    # training-mode auxiliary load-balance loss (module default is training=True)
    num_tokens = hidden_states.shape[0]
    expert_mask = jax.nn.one_hot(topk_indices, NUM_EXPERTS, dtype=jnp.float32)  # (N, K, E)
    tokens_per_expert = expert_mask.sum(axis=(0, 1)) / (num_tokens * TOP_K)
    mean_prob = scores.mean(axis=0)
    aux_loss = ALPHA * NUM_EXPERTS * jnp.sum(tokens_per_expert * mean_prob)
    return topk_weights, topk_indices, aux_loss

if __name__ == "__main__":
    import jax
    _d = setup_inputs()
    print(jax.jit(kernel)(*tuple(_d.values())))

</pallas_src>

<mosaic_0001>
#map = affine_map<(d0, d1) -> (0, 0)>
#map1 = affine_map<(d0, d1) -> (0, 0, 0)>
module attributes {stable_mosaic.version = 14 : i64} {
  func.func @_route_kernel(%arg0: i32, %arg1: i32, %arg2: memref<8x32768xf32, #tpu.memory_space<hbm>>, %arg3: memref<2x32768xf32, #tpu.memory_space<hbm>>, %arg4: memref<2x32768xi32, #tpu.memory_space<hbm>>, %arg5: memref<32x16x16xf32, #tpu.memory_space<hbm>>, %arg6: memref<8x1024xf32, #tpu.memory_space<vmem>>, %arg7: memref<2x1024xf32, #tpu.memory_space<vmem>>, %arg8: memref<2x1024xi32, #tpu.memory_space<vmem>>, %arg9: memref<16x16xf32, #tpu.memory_space<vmem>>) attributes {dimension_semantics = [#tpu.dimension_semantics<core_parallel>, #tpu.dimension_semantics<subcore_parallel>], iteration_bounds = array<i64: 2, 16>, scalar_prefetch = 0 : i64, scratch_operands = 4 : i64, tpu.core_type = #tpu.core_type<sc_vector_subcore>, window_params = [{transform_indices = #map}, {transform_indices = #map}, {transform_indices = #map}, {transform_indices = #map1}]} {
    %mul3A = arith.constant 2 : i32
    %mul3A_0 = arith.muli %arg1, %mul3A : i32
    %add3A = arith.addi %mul3A_0, %arg0 : i32
    %mul3A_1 = arith.constant 1024 : i32
    %mul3A_2 = arith.muli %add3A, %mul3A_1 : i32
    "tpu.region"() ({
      %run_scoped3A = tpu.sem_alloc : memref<!tpu.dma_semaphore, #tpu.memory_space<semaphore_mem>>
      %dma_start3A = arith.constant 0 : i32
      %dma_start3A_104 = tpu.memref_slice %arg2[%dma_start3A, %mul3A_2] : memref<8x32768xf32, #tpu.memory_space<hbm>> -> memref<8x1024xf32, #tpu.memory_space<hbm>>
      %dma_start3A_105 = arith.constant 0 : i32
      %dma_start3A_106 = tpu.memref_slice %arg2[%dma_start3A_105, %mul3A_2] : memref<8x32768xf32, #tpu.memory_space<hbm>> -> memref<8x1024xf32, #tpu.memory_space<hbm>>
      tpu.enqueue_dma source(%dma_start3A_106 : memref<8x1024xf32, #tpu.memory_space<hbm>>) target(%arg6 : memref<8x1024xf32, #tpu.memory_space<vmem>>) target_semaphore(%run_scoped3A : memref<!tpu.dma_semaphore, #tpu.memory_space<semaphore_mem>>)
      %dma_wait3A = arith.constant 0 : i32
      %dma_wait3A_107 = tpu.memref_slice %arg2[%dma_wait3A, %mul3A_2] : memref<8x32768xf32, #tpu.memory_space<hbm>> -> memref<8x1024xf32, #tpu.memory_space<hbm>>
      %dma_wait3A_108 = arith.constant 0 : i32
      %dma_wait3A_109 = tpu.memref_slice %arg2[%dma_wait3A_108, %mul3A_2] : memref<8x32768xf32, #tpu.memory_space<hbm>> -> memref<8x1024xf32, #tpu.memory_space<hbm>>
      tpu.wait_dma2 semaphore(%run_scoped3A : memref<!tpu.dma_semaphore, #tpu.memory_space<semaphore_mem>>) src(%dma_wait3A_109 : memref<8x1024xf32, #tpu.memory_space<hbm>>) dst(%arg6 : memref<8x1024xf32, #tpu.memory_space<vmem>>)
      tpu.yield
    }) : () -> ()
    %broadcast_in_dim3A = arith.constant 0.000000e+00 : f32
    %broadcast_in_dim3A_3 = vector.broadcast %broadcast_in_dim3A : f32 to vector<16xf32>
    %scan3A = arith.constant 0 : i32
    %scan3A_4 = arith.constant 64 : i32
    %scan3A_5 = arith.addi %scan3A, %scan3A_4 : i32
    %scan3A_6 = arith.constant 1 : i32
    %scan3A_7:16 = scf.for %scan3A_104 = %scan3A to %scan3A_5 step %scan3A_6 iter_args(%scan3A_105 = %broadcast_in_dim3A_3, %scan3A_106 = %broadcast_in_dim3A_3, %scan3A_107 = %broadcast_in_dim3A_3, %scan3A_108 = %broadcast_in_dim3A_3, %scan3A_109 = %broadcast_in_dim3A_3, %scan3A_110 = %broadcast_in_dim3A_3, %scan3A_111 = %broadcast_in_dim3A_3, %scan3A_112 = %broadcast_in_dim3A_3, %scan3A_113 = %broadcast_in_dim3A_3, %scan3A_114 = %broadcast_in_dim3A_3, %scan3A_115 = %broadcast_in_dim3A_3, %scan3A_116 = %broadcast_in_dim3A_3, %scan3A_117 = %broadcast_in_dim3A_3, %scan3A_118 = %broadcast_in_dim3A_3, %scan3A_119 = %broadcast_in_dim3A_3, %scan3A_120 = %broadcast_in_dim3A_3) -> (vector<16xf32>, vector<16xf32>, vector<16xf32>, vector<16xf32>, vector<16xf32>, vector<16xf32>, vector<16xf32>, vector<16xf32>, vector<16xf32>, vector<16xf32>, vector<16xf32>, vector<16xf32>, vector<16xf32>, vector<16xf32>, vector<16xf32>, vector<16xf32>)  : i32 {
      %mul3A_121 = arith.constant 16 : i32
      %mul3A_122 = arith.muli %scan3A_104, %mul3A_121 : i32
      %get3A = arith.constant 0 : i32
      %get3A_123 = arith.index_cast %get3A : i32 to index
      %get3A_124 = arith.index_cast %mul3A_122 : i32 to index
      %get3A_125 = tpu.vector_load %arg6[%get3A_123, %get3A_124] {strides = array<i32>} : memref<8x1024xf32, #tpu.memory_space<vmem>>, vector<1x16xf32>,
      %get3A_126 = vector.shape_cast %get3A_125 : vector<1x16xf32> to vector<16xf32>
      %get3A_127 = arith.constant 1 : i32
      %get3A_128 = arith.index_cast %get3A_127 : i32 to index
      %get3A_129 = arith.index_cast %mul3A_122 : i32 to index
      %get3A_130 = tpu.vector_load %arg6[%get3A_128, %get3A_129] {strides = array<i32>} : memref<8x1024xf32, #tpu.memory_space<vmem>>, vector<1x16xf32>,
      %get3A_131 = vector.shape_cast %get3A_130 : vector<1x16xf32> to vector<16xf32>
      %get3A_132 = arith.constant 2 : i32
      %get3A_133 = arith.index_cast %get3A_132 : i32 to index
      %get3A_134 = arith.index_cast %mul3A_122 : i32 to index
      %get3A_135 = tpu.vector_load %arg6[%get3A_133, %get3A_134] {strides = array<i32>} : memref<8x1024xf32, #tpu.memory_space<vmem>>, vector<1x16xf32>,
      %get3A_136 = vector.shape_cast %get3A_135 : vector<1x16xf32> to vector<16xf32>
      %get3A_137 = arith.constant 3 : i32
      %get3A_138 = arith.index_cast %get3A_137 : i32 to index
      %get3A_139 = arith.index_cast %mul3A_122 : i32 to index
      %get3A_140 = tpu.vector_load %arg6[%get3A_138, %get3A_139] {strides = array<i32>} : memref<8x1024xf32, #tpu.memory_space<vmem>>, vector<1x16xf32>,
      %get3A_141 = vector.shape_cast %get3A_140 : vector<1x16xf32> to vector<16xf32>
      %get3A_142 = arith.constant 4 : i32
      %get3A_143 = arith.index_cast %get3A_142 : i32 to index
      %get3A_144 = arith.index_cast %mul3A_122 : i32 to index
      %get3A_145 = tpu.vector_load %arg6[%get3A_143, %get3A_144] {strides = array<i32>} : memref<8x1024xf32, #tpu.memory_space<vmem>>, vector<1x16xf32>,
      %get3A_146 = vector.shape_cast %get3A_145 : vector<1x16xf32> to vector<16xf32>
      %get3A_147 = arith.constant 5 : i32
      %get3A_148 = arith.index_cast %get3A_147 : i32 to index
      %get3A_149 = arith.index_cast %mul3A_122 : i32 to index
      %get3A_150 = tpu.vector_load %arg6[%get3A_148, %get3A_149] {strides = array<i32>} : memref<8x1024xf32, #tpu.memory_space<vmem>>, vector<1x16xf32>,
      %get3A_151 = vector.shape_cast %get3A_150 : vector<1x16xf32> to vector<16xf32>
      %get3A_152 = arith.constant 6 : i32
      %get3A_153 = arith.index_cast %get3A_152 : i32 to index
      %get3A_154 = arith.index_cast %mul3A_122 : i32 to index
      %get3A_155 = tpu.vector_load %arg6[%get3A_153, %get3A_154] {strides = array<i32>} : memref<8x1024xf32, #tpu.memory_space<vmem>>, vector<1x16xf32>,
      %get3A_156 = vector.shape_cast %get3A_155 : vector<1x16xf32> to vector<16xf32>
      %get3A_157 = arith.constant 7 : i32
      %get3A_158 = arith.index_cast %get3A_157 : i32 to index
      %get3A_159 = arith.index_cast %mul3A_122 : i32 to index
      %get3A_160 = tpu.vector_load %arg6[%get3A_158, %get3A_159] {strides = array<i32>} : memref<8x1024xf32, #tpu.memory_space<vmem>>, vector<1x16xf32>,
      %get3A_161 = vector.shape_cast %get3A_160 : vector<1x16xf32> to vector<16xf32>
      %broadcast_in_dim3A_162 = arith.constant 0 : i32
      %broadcast_in_dim3A_163 = vector.broadcast %broadcast_in_dim3A_162 : i32 to vector<16xi32>
      %gt3A = arith.cmpf ogt, %get3A_131, %get3A_126 : vector<16xf32>
      %select_n3A = arith.select %gt3A, %get3A_131, %get3A_126 : vector<16xi1>, vector<16xf32>
      %jit3A = arith.constant 1 : i32
      %broadcast_in_dim3A_164 = vector.broadcast %jit3A : i32 to vector<16xi32>
      %select_n3A_165 = arith.select %gt3A, %broadcast_in_dim3A_164, %broadcast_in_dim3A_163 : vector<16xi1>, vector<16xi32>
      %gt3A_166 = arith.cmpf ogt, %get3A_136, %select_n3A : vector<16xf32>
      %select_n3A_167 = arith.select %gt3A_166, %get3A_136, %select_n3A : vector<16xi1>, vector<16xf32>
      %jit3A_168 = arith.constant 2 : i32
      %broadcast_in_dim3A_169 = vector.broadcast %jit3A_168 : i32 to vector<16xi32>
      %select_n3A_170 = arith.select %gt3A_166, %broadcast_in_dim3A_169, %select_n3A_165 : vector<16xi1>, vector<16xi32>
      %gt3A_171 = arith.cmpf ogt, %get3A_141, %select_n3A_167 : vector<16xf32>
      %select_n3A_172 = arith.select %gt3A_171, %get3A_141, %select_n3A_167 : vector<16xi1>, vector<16xf32>
      %jit3A_173 = arith.constant 3 : i32
      %broadcast_in_dim3A_174 = vector.broadcast %jit3A_173 : i32 to vector<16xi32>
      %select_n3A_175 = arith.select %gt3A_171, %broadcast_in_dim3A_174, %select_n3A_170 : vector<16xi1>, vector<16xi32>
      %gt3A_176 = arith.cmpf ogt, %get3A_146, %select_n3A_172 : vector<16xf32>
      %select_n3A_177 = arith.select %gt3A_176, %get3A_146, %select_n3A_172 : vector<16xi1>, vector<16xf32>
      %jit3A_178 = arith.constant 4 : i32
      %broadcast_in_dim3A_179 = vector.broadcast %jit3A_178 : i32 to vector<16xi32>
      %select_n3A_180 = arith.select %gt3A_176, %broadcast_in_dim3A_179, %select_n3A_175 : vector<16xi1>, vector<16xi32>
      %gt3A_181 = arith.cmpf ogt, %get3A_151, %select_n3A_177 : vector<16xf32>
      %select_n3A_182 = arith.select %gt3A_181, %get3A_151, %select_n3A_177 : vector<16xi1>, vector<16xf32>
      %jit3A_183 = arith.constant 5 : i32
      %broadcast_in_dim3A_184 = vector.broadcast %jit3A_183 : i32 to vector<16xi32>
      %select_n3A_185 = arith.select %gt3A_181, %broadcast_in_dim3A_184, %select_n3A_180 : vector<16xi1>, vector<16xi32>
      %gt3A_186 = arith.cmpf ogt, %get3A_156, %select_n3A_182 : vector<16xf32>
      %select_n3A_187 = arith.select %gt3A_186, %get3A_156, %select_n3A_182 : vector<16xi1>, vector<16xf32>
      %jit3A_188 = arith.constant 6 : i32
      %broadcast_in_dim3A_189 = vector.broadcast %jit3A_188 : i32 to vector<16xi32>
      %select_n3A_190 = arith.select %gt3A_186, %broadcast_in_dim3A_189, %select_n3A_185 : vector<16xi1>, vector<16xi32>
      %gt3A_191 = arith.cmpf ogt, %get3A_161, %select_n3A_187 : vector<16xf32>
      %select_n3A_192 = arith.select %gt3A_191, %get3A_161, %select_n3A_187 : vector<16xi1>, vector<16xf32>
      %jit3A_193 = arith.constant 7 : i32
      %broadcast_in_dim3A_194 = vector.broadcast %jit3A_193 : i32 to vector<16xi32>
      %select_n3A_195 = arith.select %gt3A_191, %broadcast_in_dim3A_194, %select_n3A_190 : vector<16xi1>, vector<16xi32>
      %sub3A = arith.subf %get3A_126, %select_n3A_192 : vector<16xf32>
      %exp3A = math.exp %sub3A : vector<16xf32>
      %sub3A_196 = arith.subf %get3A_131, %select_n3A_192 : vector<16xf32>
      %exp3A_197 = math.exp %sub3A_196 : vector<16xf32>
      %sub3A_198 = arith.subf %get3A_136, %select_n3A_192 : vector<16xf32>
      %exp3A_199 = math.exp %sub3A_198 : vector<16xf32>
      %sub3A_200 = arith.subf %get3A_141, %select_n3A_192 : vector<16xf32>
      %exp3A_201 = math.exp %sub3A_200 : vector<16xf32>
      %sub3A_202 = arith.subf %get3A_146, %select_n3A_192 : vector<16xf32>
      %exp3A_203 = math.exp %sub3A_202 : vector<16xf32>
      %sub3A_204 = arith.subf %get3A_151, %select_n3A_192 : vector<16xf32>
      %exp3A_205 = math.exp %sub3A_204 : vector<16xf32>
      %sub3A_206 = arith.subf %get3A_156, %select_n3A_192 : vector<16xf32>
      %exp3A_207 = math.exp %sub3A_206 : vector<16xf32>
      %sub3A_208 = arith.subf %get3A_161, %select_n3A_192 : vector<16xf32>
      %exp3A_209 = math.exp %sub3A_208 : vector<16xf32>
      %add3A_210 = arith.addf %exp3A, %exp3A_197 : vector<16xf32>
      %add3A_211 = arith.addf %add3A_210, %exp3A_199 : vector<16xf32>
      %add3A_212 = arith.addf %add3A_211, %exp3A_201 : vector<16xf32>
      %add3A_213 = arith.addf %add3A_212, %exp3A_203 : vector<16xf32>
      %add3A_214 = arith.addf %add3A_213, %exp3A_205 : vector<16xf32>
      %add3A_215 = arith.addf %add3A_214, %exp3A_207 : vector<16xf32>
      %add3A_216 = arith.addf %add3A_215, %exp3A_209 : vector<16xf32>
      %div3A = arith.constant 1.000000e+00 : f32
      %div3A_217 = vector.broadcast %div3A : f32 to vector<16xf32>
      %div3A_218 = arith.divf %div3A_217, %add3A_216 : vector<16xf32>
      %broadcast_in_dim3A_219 = arith.constant -1.000000e+00 : f32
      %broadcast_in_dim3A_220 = vector.broadcast %broadcast_in_dim3A_219 : f32 to vector<16xf32>
      %broadcast_in_dim3A_221 = arith.constant 0 : i32
      %broadcast_in_dim3A_222 = vector.broadcast %broadcast_in_dim3A_221 : i32 to vector<16xi32>
      %ne3A = arith.constant 0 : i32
      %ne3A_223 = vector.broadcast %ne3A : i32 to vector<16xi32>
      %ne3A_224 = arith.cmpi ne, %select_n3A_195, %ne3A_223 : vector<16xi32>
      %gt3A_225 = arith.cmpf ogt, %exp3A, %broadcast_in_dim3A_220 : vector<16xf32>
      %and3A = arith.andi %ne3A_224, %gt3A_225 : vector<16xi1>
      %select_n3A_226 = arith.select %and3A, %exp3A, %broadcast_in_dim3A_220 : vector<16xi1>, vector<16xf32>
      %jit3A_227 = arith.constant 0 : i32
      %broadcast_in_dim3A_228 = vector.broadcast %jit3A_227 : i32 to vector<16xi32>
      %select_n3A_229 = arith.select %and3A, %broadcast_in_dim3A_228, %broadcast_in_dim3A_222 : vector<16xi1>, vector<16xi32>
      %ne3A_230 = arith.constant 1 : i32
      %ne3A_231 = vector.broadcast %ne3A_230 : i32 to vector<16xi32>
      %ne3A_232 = arith.cmpi ne, %select_n3A_195, %ne3A_231 : vector<16xi32>
      %gt3A_233 = arith.cmpf ogt, %exp3A_197, %select_n3A_226 : vector<16xf32>
      %and3A_234 = arith.andi %ne3A_232, %gt3A_233 : vector<16xi1>
      %select_n3A_235 = arith.select %and3A_234, %exp3A_197, %select_n3A_226 : vector<16xi1>, vector<16xf32>
      %jit3A_236 = arith.constant 1 : i32
      %broadcast_in_dim3A_237 = vector.broadcast %jit3A_236 : i32 to vector<16xi32>
      %select_n3A_238 = arith.select %and3A_234, %broadcast_in_dim3A_237, %select_n3A_229 : vector<16xi1>, vector<16xi32>
      %ne3A_239 = arith.constant 2 : i32
      %ne3A_240 = vector.broadcast %ne3A_239 : i32 to vector<16xi32>
      %ne3A_241 = arith.cmpi ne, %select_n3A_195, %ne3A_240 : vector<16xi32>
      %gt3A_242 = arith.cmpf ogt, %exp3A_199, %select_n3A_235 : vector<16xf32>
      %and3A_243 = arith.andi %ne3A_241, %gt3A_242 : vector<16xi1>
      %select_n3A_244 = arith.select %and3A_243, %exp3A_199, %select_n3A_235 : vector<16xi1>, vector<16xf32>
      %jit3A_245 = arith.constant 2 : i32
      %broadcast_in_dim3A_246 = vector.broadcast %jit3A_245 : i32 to vector<16xi32>
      %select_n3A_247 = arith.select %and3A_243, %broadcast_in_dim3A_246, %select_n3A_238 : vector<16xi1>, vector<16xi32>
      %ne3A_248 = arith.constant 3 : i32
      %ne3A_249 = vector.broadcast %ne3A_248 : i32 to vector<16xi32>
      %ne3A_250 = arith.cmpi ne, %select_n3A_195, %ne3A_249 : vector<16xi32>
      %gt3A_251 = arith.cmpf ogt, %exp3A_201, %select_n3A_244 : vector<16xf32>
      %and3A_252 = arith.andi %ne3A_250, %gt3A_251 : vector<16xi1>
      %select_n3A_253 = arith.select %and3A_252, %exp3A_201, %select_n3A_244 : vector<16xi1>, vector<16xf32>
      %jit3A_254 = arith.constant 3 : i32
      %broadcast_in_dim3A_255 = vector.broadcast %jit3A_254 : i32 to vector<16xi32>
      %select_n3A_256 = arith.select %and3A_252, %broadcast_in_dim3A_255, %select_n3A_247 : vector<16xi1>, vector<16xi32>
      %ne3A_257 = arith.constant 4 : i32
      %ne3A_258 = vector.broadcast %ne3A_257 : i32 to vector<16xi32>
      %ne3A_259 = arith.cmpi ne, %select_n3A_195, %ne3A_258 : vector<16xi32>
      %gt3A_260 = arith.cmpf ogt, %exp3A_203, %select_n3A_253 : vector<16xf32>
      %and3A_261 = arith.andi %ne3A_259, %gt3A_260 : vector<16xi1>
      %select_n3A_262 = arith.select %and3A_261, %exp3A_203, %select_n3A_253 : vector<16xi1>, vector<16xf32>
      %jit3A_263 = arith.constant 4 : i32
      %broadcast_in_dim3A_264 = vector.broadcast %jit3A_263 : i32 to vector<16xi32>
      %select_n3A_265 = arith.select %and3A_261, %broadcast_in_dim3A_264, %select_n3A_256 : vector<16xi1>, vector<16xi32>
      %ne3A_266 = arith.constant 5 : i32
      %ne3A_267 = vector.broadcast %ne3A_266 : i32 to vector<16xi32>
      %ne3A_268 = arith.cmpi ne, %select_n3A_195, %ne3A_267 : vector<16xi32>
      %gt3A_269 = arith.cmpf ogt, %exp3A_205, %select_n3A_262 : vector<16xf32>
      %and3A_270 = arith.andi %ne3A_268, %gt3A_269 : vector<16xi1>
      %select_n3A_271 = arith.select %and3A_270, %exp3A_205, %select_n3A_262 : vector<16xi1>, vector<16xf32>
      %jit3A_272 = arith.constant 5 : i32
      %broadcast_in_dim3A_273 = vector.broadcast %jit3A_272 : i32 to vector<16xi32>
      %select_n3A_274 = arith.select %and3A_270, %broadcast_in_dim3A_273, %select_n3A_265 : vector<16xi1>, vector<16xi32>
      %ne3A_275 = arith.constant 6 : i32
      %ne3A_276 = vector.broadcast %ne3A_275 : i32 to vector<16xi32>
      %ne3A_277 = arith.cmpi ne, %select_n3A_195, %ne3A_276 : vector<16xi32>
      %gt3A_278 = arith.cmpf ogt, %exp3A_207, %select_n3A_271 : vector<16xf32>
      %and3A_279 = arith.andi %ne3A_277, %gt3A_278 : vector<16xi1>
      %select_n3A_280 = arith.select %and3A_279, %exp3A_207, %select_n3A_271 : vector<16xi1>, vector<16xf32>
      %jit3A_281 = arith.constant 6 : i32
      %broadcast_in_dim3A_282 = vector.broadcast %jit3A_281 : i32 to vector<16xi32>
      %select_n3A_283 = arith.select %and3A_279, %broadcast_in_dim3A_282, %select_n3A_274 : vector<16xi1>, vector<16xi32>
      %ne3A_284 = arith.constant 7 : i32
      %ne3A_285 = vector.broadcast %ne3A_284 : i32 to vector<16xi32>
      %ne3A_286 = arith.cmpi ne, %select_n3A_195, %ne3A_285 : vector<16xi32>
      %gt3A_287 = arith.cmpf ogt, %exp3A_209, %select_n3A_280 : vector<16xf32>
      %and3A_288 = arith.andi %ne3A_286, %gt3A_287 : vector<16xi1>
      %select_n3A_289 = arith.select %and3A_288, %exp3A_209, %select_n3A_280 : vector<16xi1>, vector<16xf32>
      %jit3A_290 = arith.constant 7 : i32
      %broadcast_in_dim3A_291 = vector.broadcast %jit3A_290 : i32 to vector<16xi32>
      %select_n3A_292 = arith.select %and3A_288, %broadcast_in_dim3A_291, %select_n3A_283 : vector<16xi1>, vector<16xi32>
      %add3A_293 = arith.constant 1.000000e+00 : f32
      %add3A_294 = vector.broadcast %add3A_293 : f32 to vector<16xf32>
      %add3A_295 = arith.addf %add3A_294, %select_n3A_289 : vector<16xf32>
      %div3A_296 = arith.constant 1.000000e+00 : f32
      %div3A_297 = vector.broadcast %div3A_296 : f32 to vector<16xf32>
      %div3A_298 = arith.divf %div3A_297, %add3A_295 : vector<16xf32>
      %swap3A_299 = arith.constant 0 : i32
      %swap3A_300 = arith.index_cast %swap3A_299 : i32 to index
      %swap3A_301 = arith.index_cast %mul3A_122 : i32 to index
      %swap3A_302 = tpu.vector_load %arg7[%swap3A_300, %swap3A_301] {strides = array<i32>} : memref<2x1024xf32, #tpu.memory_space<vmem>>, vector<1x16xf32>,
      %swap3A_303 = vector.shape_cast %swap3A_302 : vector<1x16xf32> to vector<16xf32>
      %swap3A_304 = vector.shape_cast %div3A_298 : vector<16xf32> to vector<1x16xf32>
      tpu.vector_store %arg7[%swap3A_300, %swap3A_301], %swap3A_304 {strides = array<i32>} : memref<2x1024xf32, #tpu.memory_space<vmem>>, vector<1x16xf32>,
      %mul3A_305 = arith.mulf %select_n3A_289, %div3A_298 : vector<16xf32>
      %swap3A_306 = arith.constant 1 : i32
      %swap3A_307 = arith.index_cast %swap3A_306 : i32 to index
      %swap3A_308 = arith.index_cast %mul3A_122 : i32 to index
      %swap3A_309 = tpu.vector_load %arg7[%swap3A_307, %swap3A_308] {strides = array<i32>} : memref<2x1024xf32, #tpu.memory_space<vmem>>, vector<1x16xf32>,
      %swap3A_310 = vector.shape_cast %swap3A_309 : vector<1x16xf32> to vector<16xf32>
      %swap3A_311 = vector.shape_cast %mul3A_305 : vector<16xf32> to vector<1x16xf32>
      tpu.vector_store %arg7[%swap3A_307, %swap3A_308], %swap3A_311 {strides = array<i32>} : memref<2x1024xf32, #tpu.memory_space<vmem>>, vector<1x16xf32>,
      %swap3A_312 = arith.constant 0 : i32
      %swap3A_313 = arith.index_cast %swap3A_312 : i32 to index
      %swap3A_314 = arith.index_cast %mul3A_122 : i32 to index
      %swap3A_315 = tpu.vector_load %arg8[%swap3A_313, %swap3A_314] {strides = array<i32>} : memref<2x1024xi32, #tpu.memory_space<vmem>>, vector<1x16xi32>,
      %swap3A_316 = vector.shape_cast %swap3A_315 : vector<1x16xi32> to vector<16xi32>
      %swap3A_317 = vector.shape_cast %select_n3A_195 : vector<16xi32> to vector<1x16xi32>
      tpu.vector_store %arg8[%swap3A_313, %swap3A_314], %swap3A_317 {strides = array<i32>} : memref<2x1024xi32, #tpu.memory_space<vmem>>, vector<1x16xi32>,
      %swap3A_318 = arith.constant 1 : i32
      %swap3A_319 = arith.index_cast %swap3A_318 : i32 to index
      %swap3A_320 = arith.index_cast %mul3A_122 : i32 to index
      %swap3A_321 = tpu.vector_load %arg8[%swap3A_319, %swap3A_320] {strides = array<i32>} : memref<2x1024xi32, #tpu.memory_space<vmem>>, vector<1x16xi32>,
      %swap3A_322 = vector.shape_cast %swap3A_321 : vector<1x16xi32> to vector<16xi32>
      %swap3A_323 = vector.shape_cast %select_n3A_292 : vector<16xi32> to vector<1x16xi32>
      tpu.vector_store %arg8[%swap3A_319, %swap3A_320], %swap3A_323 {strides = array<i32>} : memref<2x1024xi32, #tpu.memory_space<vmem>>, vector<1x16xi32>,
      %broadcast_in_dim3A_324 = arith.constant 1.000000e+00 : f32
      %broadcast_in_dim3A_325 = vector.broadcast %broadcast_in_dim3A_324 : f32 to vector<16xf32>
      %eq3A = arith.constant 0 : i32
      %eq3A_326 = vector.broadcast %eq3A : i32 to vector<16xi32>
      %eq3A_327 = arith.cmpi eq, %select_n3A_195, %eq3A_326 : vector<16xi32>
      %select_n3A_328 = arith.select %eq3A_327, %broadcast_in_dim3A_325, %broadcast_in_dim3A_3 : vector<16xi1>, vector<16xf32>
      %eq3A_329 = arith.constant 0 : i32
      %eq3A_330 = vector.broadcast %eq3A_329 : i32 to vector<16xi32>
      %eq3A_331 = arith.cmpi eq, %select_n3A_292, %eq3A_330 : vector<16xi32>
      %select_n3A_332 = arith.select %eq3A_331, %broadcast_in_dim3A_325, %broadcast_in_dim3A_3 : vector<16xi1>, vector<16xf32>
      %add3A_333 = arith.addf %select_n3A_328, %select_n3A_332 : vector<16xf32>
      %add3A_334 = arith.addf %scan3A_105, %add3A_333 : vector<16xf32>
      %mul3A_335 = arith.mulf %exp3A, %div3A_218 : vector<16xf32>
      %add3A_336 = arith.addf %scan3A_113, %mul3A_335 : vector<16xf32>
      %eq3A_337 = arith.constant 1 : i32
      %eq3A_338 = vector.broadcast %eq3A_337 : i32 to vector<16xi32>
      %eq3A_339 = arith.cmpi eq, %select_n3A_195, %eq3A_338 : vector<16xi32>
      %select_n3A_340 = arith.select %eq3A_339, %broadcast_in_dim3A_325, %broadcast_in_dim3A_3 : vector<16xi1>, vector<16xf32>
      %eq3A_341 = arith.constant 1 : i32
      %eq3A_342 = vector.broadcast %eq3A_341 : i32 to vector<16xi32>
      %eq3A_343 = arith.cmpi eq, %select_n3A_292, %eq3A_342 : vector<16xi32>
      %select_n3A_344 = arith.select %eq3A_343, %broadcast_in_dim3A_325, %broadcast_in_dim3A_3 : vector<16xi1>, vector<16xf32>
      %add3A_345 = arith.addf %select_n3A_340, %select_n3A_344 : vector<16xf32>
      %add3A_346 = arith.addf %scan3A_106, %add3A_345 : vector<16xf32>
      %mul3A_347 = arith.mulf %exp3A_197, %div3A_218 : vector<16xf32>
      %add3A_348 = arith.addf %scan3A_114, %mul3A_347 : vector<16xf32>
      %eq3A_349 = arith.constant 2 : i32
      %eq3A_350 = vector.broadcast %eq3A_349 : i32 to vector<16xi32>
      %eq3A_351 = arith.cmpi eq, %select_n3A_195, %eq3A_350 : vector<16xi32>
      %select_n3A_352 = arith.select %eq3A_351, %broadcast_in_dim3A_325, %broadcast_in_dim3A_3 : vector<16xi1>, vector<16xf32>
      %eq3A_353 = arith.constant 2 : i32
      %eq3A_354 = vector.broadcast %eq3A_353 : i32 to vector<16xi32>
      %eq3A_355 = arith.cmpi eq, %select_n3A_292, %eq3A_354 : vector<16xi32>
      %select_n3A_356 = arith.select %eq3A_355, %broadcast_in_dim3A_325, %broadcast_in_dim3A_3 : vector<16xi1>, vector<16xf32>
      %add3A_357 = arith.addf %select_n3A_352, %select_n3A_356 : vector<16xf32>
      %add3A_358 = arith.addf %scan3A_107, %add3A_357 : vector<16xf32>
      %mul3A_359 = arith.mulf %exp3A_199, %div3A_218 : vector<16xf32>
      %add3A_360 = arith.addf %scan3A_115, %mul3A_359 : vector<16xf32>
      %eq3A_361 = arith.constant 3 : i32
      %eq3A_362 = vector.broadcast %eq3A_361 : i32 to vector<16xi32>
      %eq3A_363 = arith.cmpi eq, %select_n3A_195, %eq3A_362 : vector<16xi32>
      %select_n3A_364 = arith.select %eq3A_363, %broadcast_in_dim3A_325, %broadcast_in_dim3A_3 : vector<16xi1>, vector<16xf32>
      %eq3A_365 = arith.constant 3 : i32
      %eq3A_366 = vector.broadcast %eq3A_365 : i32 to vector<16xi32>
      %eq3A_367 = arith.cmpi eq, %select_n3A_292, %eq3A_366 : vector<16xi32>
      %select_n3A_368 = arith.select %eq3A_367, %broadcast_in_dim3A_325, %broadcast_in_dim3A_3 : vector<16xi1>, vector<16xf32>
      %add3A_369 = arith.addf %select_n3A_364, %select_n3A_368 : vector<16xf32>
      %add3A_370 = arith.addf %scan3A_108, %add3A_369 : vector<16xf32>
      %mul3A_371 = arith.mulf %exp3A_201, %div3A_218 : vector<16xf32>
      %add3A_372 = arith.addf %scan3A_116, %mul3A_371 : vector<16xf32>
      %eq3A_373 = arith.constant 4 : i32
      %eq3A_374 = vector.broadcast %eq3A_373 : i32 to vector<16xi32>
      %eq3A_375 = arith.cmpi eq, %select_n3A_195, %eq3A_374 : vector<16xi32>
      %select_n3A_376 = arith.select %eq3A_375, %broadcast_in_dim3A_325, %broadcast_in_dim3A_3 : vector<16xi1>, vector<16xf32>
      %eq3A_377 = arith.constant 4 : i32
      %eq3A_378 = vector.broadcast %eq3A_377 : i32 to vector<16xi32>
      %eq3A_379 = arith.cmpi eq, %select_n3A_292, %eq3A_378 : vector<16xi32>
      %select_n3A_380 = arith.select %eq3A_379, %broadcast_in_dim3A_325, %broadcast_in_dim3A_3 : vector<16xi1>, vector<16xf32>
      %add3A_381 = arith.addf %select_n3A_376, %select_n3A_380 : vector<16xf32>
      %add3A_382 = arith.addf %scan3A_109, %add3A_381 : vector<16xf32>
      %mul3A_383 = arith.mulf %exp3A_203, %div3A_218 : vector<16xf32>
      %add3A_384 = arith.addf %scan3A_117, %mul3A_383 : vector<16xf32>
      %eq3A_385 = arith.constant 5 : i32
      %eq3A_386 = vector.broadcast %eq3A_385 : i32 to vector<16xi32>
      %eq3A_387 = arith.cmpi eq, %select_n3A_195, %eq3A_386 : vector<16xi32>
      %select_n3A_388 = arith.select %eq3A_387, %broadcast_in_dim3A_325, %broadcast_in_dim3A_3 : vector<16xi1>, vector<16xf32>
      %eq3A_389 = arith.constant 5 : i32
      %eq3A_390 = vector.broadcast %eq3A_389 : i32 to vector<16xi32>
      %eq3A_391 = arith.cmpi eq, %select_n3A_292, %eq3A_390 : vector<16xi32>
      %select_n3A_392 = arith.select %eq3A_391, %broadcast_in_dim3A_325, %broadcast_in_dim3A_3 : vector<16xi1>, vector<16xf32>
      %add3A_393 = arith.addf %select_n3A_388, %select_n3A_392 : vector<16xf32>
      %add3A_394 = arith.addf %scan3A_110, %add3A_393 : vector<16xf32>
      %mul3A_395 = arith.mulf %exp3A_205, %div3A_218 : vector<16xf32>
      %add3A_396 = arith.addf %scan3A_118, %mul3A_395 : vector<16xf32>
      %eq3A_397 = arith.constant 6 : i32
      %eq3A_398 = vector.broadcast %eq3A_397 : i32 to vector<16xi32>
      %eq3A_399 = arith.cmpi eq, %select_n3A_195, %eq3A_398 : vector<16xi32>
      %select_n3A_400 = arith.select %eq3A_399, %broadcast_in_dim3A_325, %broadcast_in_dim3A_3 : vector<16xi1>, vector<16xf32>
      %eq3A_401 = arith.constant 6 : i32
      %eq3A_402 = vector.broadcast %eq3A_401 : i32 to vector<16xi32>
      %eq3A_403 = arith.cmpi eq, %select_n3A_292, %eq3A_402 : vector<16xi32>
      %select_n3A_404 = arith.select %eq3A_403, %broadcast_in_dim3A_325, %broadcast_in_dim3A_3 : vector<16xi1>, vector<16xf32>
      %add3A_405 = arith.addf %select_n3A_400, %select_n3A_404 : vector<16xf32>
      %add3A_406 = arith.addf %scan3A_111, %add3A_405 : vector<16xf32>
      %mul3A_407 = arith.mulf %exp3A_207, %div3A_218 : vector<16xf32>
      %add3A_408 = arith.addf %scan3A_119, %mul3A_407 : vector<16xf32>
      %eq3A_409 = arith.constant 7 : i32
      %eq3A_410 = vector.broadcast %eq3A_409 : i32 to vector<16xi32>
      %eq3A_411 = arith.cmpi eq, %select_n3A_195, %eq3A_410 : vector<16xi32>
      %select_n3A_412 = arith.select %eq3A_411, %broadcast_in_dim3A_325, %broadcast_in_dim3A_3 : vector<16xi1>, vector<16xf32>
      %eq3A_413 = arith.constant 7 : i32
      %eq3A_414 = vector.broadcast %eq3A_413 : i32 to vector<16xi32>
      %eq3A_415 = arith.cmpi eq, %select_n3A_292, %eq3A_414 : vector<16xi32>
      %select_n3A_416 = arith.select %eq3A_415, %broadcast_in_dim3A_325, %broadcast_in_dim3A_3 : vector<16xi1>, vector<16xf32>
      %add3A_417 = arith.addf %select_n3A_412, %select_n3A_416 : vector<16xf32>
      %add3A_418 = arith.addf %scan3A_112, %add3A_417 : vector<16xf32>
      %mul3A_419 = arith.mulf %exp3A_209, %div3A_218 : vector<16xf32>
      %add3A_420 = arith.addf %scan3A_120, %mul3A_419 : vector<16xf32>
      scf.yield %add3A_334, %add3A_346, %add3A_358, %add3A_370, %add3A_382, %add3A_394, %add3A_406, %add3A_418, %add3A_336, %add3A_348, %add3A_360, %add3A_372, %add3A_384, %add3A_396, %add3A_408, %add3A_420 : vector<16xf32>, vector<16xf32>, vector<16xf32>, vector<16xf32>, vector<16xf32>, vector<16xf32>, vector<16xf32>, vector<16xf32>, vector<16xf32>, vector<16xf32>, vector<16xf32>, vector<16xf32>, vector<16xf32>, vector<16xf32>, vector<16xf32>, vector<16xf32>
    }
    %scan3A_8 = arith.constant 64 : i32
    %swap3A = arith.constant 0 : i32
    %swap3A_9 = arith.index_cast %swap3A : i32 to index
    %swap3A_10 = arith.constant 0 : index
    %swap3A_11 = tpu.vector_load %arg9[%swap3A_9, %swap3A_10] {strides = array<i32>} : memref<16x16xf32, #tpu.memory_space<vmem>>, vector<1x16xf32>,
    %swap3A_12 = vector.shape_cast %swap3A_11 : vector<1x16xf32> to vector<16xf32>
    %swap3A_13 = vector.shape_cast %scan3A_7#0 : vector<16xf32> to vector<1x16xf32>
    tpu.vector_store %arg9[%swap3A_9, %swap3A_10], %swap3A_13 {strides = array<i32>} : memref<16x16xf32, #tpu.memory_space<vmem>>, vector<1x16xf32>,
    %swap3A_14 = arith.constant 8 : i32
    %swap3A_15 = arith.index_cast %swap3A_14 : i32 to index
    %swap3A_16 = arith.constant 0 : index
    %swap3A_17 = tpu.vector_load %arg9[%swap3A_15, %swap3A_16] {strides = array<i32>} : memref<16x16xf32, #tpu.memory_space<vmem>>, vector<1x16xf32>,
    %swap3A_18 = vector.shape_cast %swap3A_17 : vector<1x16xf32> to vector<16xf32>
    %swap3A_19 = vector.shape_cast %scan3A_7#8 : vector<16xf32> to vector<1x16xf32>
    tpu.vector_store %arg9[%swap3A_15, %swap3A_16], %swap3A_19 {strides = array<i32>} : memref<16x16xf32, #tpu.memory_space<vmem>>, vector<1x16xf32>,
    %swap3A_20 = arith.constant 1 : i32
    %swap3A_21 = arith.index_cast %swap3A_20 : i32 to index
    %swap3A_22 = arith.constant 0 : index
    %swap3A_23 = tpu.vector_load %arg9[%swap3A_21, %swap3A_22] {strides = array<i32>} : memref<16x16xf32, #tpu.memory_space<vmem>>, vector<1x16xf32>,
    %swap3A_24 = vector.shape_cast %swap3A_23 : vector<1x16xf32> to vector<16xf32>
    %swap3A_25 = vector.shape_cast %scan3A_7#1 : vector<16xf32> to vector<1x16xf32>
    tpu.vector_store %arg9[%swap3A_21, %swap3A_22], %swap3A_25 {strides = array<i32>} : memref<16x16xf32, #tpu.memory_space<vmem>>, vector<1x16xf32>,
    %swap3A_26 = arith.constant 9 : i32
    %swap3A_27 = arith.index_cast %swap3A_26 : i32 to index
    %swap3A_28 = arith.constant 0 : index
    %swap3A_29 = tpu.vector_load %arg9[%swap3A_27, %swap3A_28] {strides = array<i32>} : memref<16x16xf32, #tpu.memory_space<vmem>>, vector<1x16xf32>,
    %swap3A_30 = vector.shape_cast %swap3A_29 : vector<1x16xf32> to vector<16xf32>
    %swap3A_31 = vector.shape_cast %scan3A_7#9 : vector<16xf32> to vector<1x16xf32>
    tpu.vector_store %arg9[%swap3A_27, %swap3A_28], %swap3A_31 {strides = array<i32>} : memref<16x16xf32, #tpu.memory_space<vmem>>, vector<1x16xf32>,
    %swap3A_32 = arith.constant 2 : i32
    %swap3A_33 = arith.index_cast %swap3A_32 : i32 to index
    %swap3A_34 = arith.constant 0 : index
    %swap3A_35 = tpu.vector_load %arg9[%swap3A_33, %swap3A_34] {strides = array<i32>} : memref<16x16xf32, #tpu.memory_space<vmem>>, vector<1x16xf32>,
    %swap3A_36 = vector.shape_cast %swap3A_35 : vector<1x16xf32> to vector<16xf32>
    %swap3A_37 = vector.shape_cast %scan3A_7#2 : vector<16xf32> to vector<1x16xf32>
    tpu.vector_store %arg9[%swap3A_33, %swap3A_34], %swap3A_37 {strides = array<i32>} : memref<16x16xf32, #tpu.memory_space<vmem>>, vector<1x16xf32>,
    %swap3A_38 = arith.constant 10 : i32
    %swap3A_39 = arith.index_cast %swap3A_38 : i32 to index
    %swap3A_40 = arith.constant 0 : index
    %swap3A_41 = tpu.vector_load %arg9[%swap3A_39, %swap3A_40] {strides = array<i32>} : memref<16x16xf32, #tpu.memory_space<vmem>>, vector<1x16xf32>,
    %swap3A_42 = vector.shape_cast %swap3A_41 : vector<1x16xf32> to vector<16xf32>
    %swap3A_43 = vector.shape_cast %scan3A_7#10 : vector<16xf32> to vector<1x16xf32>
    tpu.vector_store %arg9[%swap3A_39, %swap3A_40], %swap3A_43 {strides = array<i32>} : memref<16x16xf32, #tpu.memory_space<vmem>>, vector<1x16xf32>,
    %swap3A_44 = arith.constant 3 : i32
    %swap3A_45 = arith.index_cast %swap3A_44 : i32 to index
    %swap3A_46 = arith.constant 0 : index
    %swap3A_47 = tpu.vector_load %arg9[%swap3A_45, %swap3A_46] {strides = array<i32>} : memref<16x16xf32, #tpu.memory_space<vmem>>, vector<1x16xf32>,
    %swap3A_48 = vector.shape_cast %swap3A_47 : vector<1x16xf32> to vector<16xf32>
    %swap3A_49 = vector.shape_cast %scan3A_7#3 : vector<16xf32> to vector<1x16xf32>
    tpu.vector_store %arg9[%swap3A_45, %swap3A_46], %swap3A_49 {strides = array<i32>} : memref<16x16xf32, #tpu.memory_space<vmem>>, vector<1x16xf32>,
    %swap3A_50 = arith.constant 11 : i32
    %swap3A_51 = arith.index_cast %swap3A_50 : i32 to index
    %swap3A_52 = arith.constant 0 : index
    %swap3A_53 = tpu.vector_load %arg9[%swap3A_51, %swap3A_52] {strides = array<i32>} : memref<16x16xf32, #tpu.memory_space<vmem>>, vector<1x16xf32>,
    %swap3A_54 = vector.shape_cast %swap3A_53 : vector<1x16xf32> to vector<16xf32>
    %swap3A_55 = vector.shape_cast %scan3A_7#11 : vector<16xf32> to vector<1x16xf32>
    tpu.vector_store %arg9[%swap3A_51, %swap3A_52], %swap3A_55 {strides = array<i32>} : memref<16x16xf32, #tpu.memory_space<vmem>>, vector<1x16xf32>,
    %swap3A_56 = arith.constant 4 : i32
    %swap3A_57 = arith.index_cast %swap3A_56 : i32 to index
    %swap3A_58 = arith.constant 0 : index
    %swap3A_59 = tpu.vector_load %arg9[%swap3A_57, %swap3A_58] {strides = array<i32>} : memref<16x16xf32, #tpu.memory_space<vmem>>, vector<1x16xf32>,
    %swap3A_60 = vector.shape_cast %swap3A_59 : vector<1x16xf32> to vector<16xf32>
    %swap3A_61 = vector.shape_cast %scan3A_7#4 : vector<16xf32> to vector<1x16xf32>
    tpu.vector_store %arg9[%swap3A_57, %swap3A_58], %swap3A_61 {strides = array<i32>} : memref<16x16xf32, #tpu.memory_space<vmem>>, vector<1x16xf32>,
    %swap3A_62 = arith.constant 12 : i32
    %swap3A_63 = arith.index_cast %swap3A_62 : i32 to index
    %swap3A_64 = arith.constant 0 : index
    %swap3A_65 = tpu.vector_load %arg9[%swap3A_63, %swap3A_64] {strides = array<i32>} : memref<16x16xf32, #tpu.memory_space<vmem>>, vector<1x16xf32>,
    %swap3A_66 = vector.shape_cast %swap3A_65 : vector<1x16xf32> to vector<16xf32>
    %swap3A_67 = vector.shape_cast %scan3A_7#12 : vector<16xf32> to vector<1x16xf32>
    tpu.vector_store %arg9[%swap3A_63, %swap3A_64], %swap3A_67 {strides = array<i32>} : memref<16x16xf32, #tpu.memory_space<vmem>>, vector<1x16xf32>,
    %swap3A_68 = arith.constant 5 : i32
    %swap3A_69 = arith.index_cast %swap3A_68 : i32 to index
    %swap3A_70 = arith.constant 0 : index
    %swap3A_71 = tpu.vector_load %arg9[%swap3A_69, %swap3A_70] {strides = array<i32>} : memref<16x16xf32, #tpu.memory_space<vmem>>, vector<1x16xf32>,
    %swap3A_72 = vector.shape_cast %swap3A_71 : vector<1x16xf32> to vector<16xf32>
    %swap3A_73 = vector.shape_cast %scan3A_7#5 : vector<16xf32> to vector<1x16xf32>
    tpu.vector_store %arg9[%swap3A_69, %swap3A_70], %swap3A_73 {strides = array<i32>} : memref<16x16xf32, #tpu.memory_space<vmem>>, vector<1x16xf32>,
    %swap3A_74 = arith.constant 13 : i32
    %swap3A_75 = arith.index_cast %swap3A_74 : i32 to index
    %swap3A_76 = arith.constant 0 : index
    %swap3A_77 = tpu.vector_load %arg9[%swap3A_75, %swap3A_76] {strides = array<i32>} : memref<16x16xf32, #tpu.memory_space<vmem>>, vector<1x16xf32>,
    %swap3A_78 = vector.shape_cast %swap3A_77 : vector<1x16xf32> to vector<16xf32>
    %swap3A_79 = vector.shape_cast %scan3A_7#13 : vector<16xf32> to vector<1x16xf32>
    tpu.vector_store %arg9[%swap3A_75, %swap3A_76], %swap3A_79 {strides = array<i32>} : memref<16x16xf32, #tpu.memory_space<vmem>>, vector<1x16xf32>,
    %swap3A_80 = arith.constant 6 : i32
    %swap3A_81 = arith.index_cast %swap3A_80 : i32 to index
    %swap3A_82 = arith.constant 0 : index
    %swap3A_83 = tpu.vector_load %arg9[%swap3A_81, %swap3A_82] {strides = array<i32>} : memref<16x16xf32, #tpu.memory_space<vmem>>, vector<1x16xf32>,
    %swap3A_84 = vector.shape_cast %swap3A_83 : vector<1x16xf32> to vector<16xf32>
    %swap3A_85 = vector.shape_cast %scan3A_7#6 : vector<16xf32> to vector<1x16xf32>
    tpu.vector_store %arg9[%swap3A_81, %swap3A_82], %swap3A_85 {strides = array<i32>} : memref<16x16xf32, #tpu.memory_space<vmem>>, vector<1x16xf32>,
    %swap3A_86 = arith.constant 14 : i32
    %swap3A_87 = arith.index_cast %swap3A_86 : i32 to index
    %swap3A_88 = arith.constant 0 : index
    %swap3A_89 = tpu.vector_load %arg9[%swap3A_87, %swap3A_88] {strides = array<i32>} : memref<16x16xf32, #tpu.memory_space<vmem>>, vector<1x16xf32>,
    %swap3A_90 = vector.shape_cast %swap3A_89 : vector<1x16xf32> to vector<16xf32>
    %swap3A_91 = vector.shape_cast %scan3A_7#14 : vector<16xf32> to vector<1x16xf32>
    tpu.vector_store %arg9[%swap3A_87, %swap3A_88], %swap3A_91 {strides = array<i32>} : memref<16x16xf32, #tpu.memory_space<vmem>>, vector<1x16xf32>,
    %swap3A_92 = arith.constant 7 : i32
    %swap3A_93 = arith.index_cast %swap3A_92 : i32 to index
    %swap3A_94 = arith.constant 0 : index
    %swap3A_95 = tpu.vector_load %arg9[%swap3A_93, %swap3A_94] {strides = array<i32>} : memref<16x16xf32, #tpu.memory_space<vmem>>, vector<1x16xf32>,
    %swap3A_96 = vector.shape_cast %swap3A_95 : vector<1x16xf32> to vector<16xf32>
    %swap3A_97 = vector.shape_cast %scan3A_7#7 : vector<16xf32> to vector<1x16xf32>
    tpu.vector_store %arg9[%swap3A_93, %swap3A_94], %swap3A_97 {strides = array<i32>} : memref<16x16xf32, #tpu.memory_space<vmem>>, vector<1x16xf32>,
    %swap3A_98 = arith.constant 15 : i32
    %swap3A_99 = arith.index_cast %swap3A_98 : i32 to index
    %swap3A_100 = arith.constant 0 : index
    %swap3A_101 = tpu.vector_load %arg9[%swap3A_99, %swap3A_100] {strides = array<i32>} : memref<16x16xf32, #tpu.memory_space<vmem>>, vector<1x16xf32>,
    %swap3A_102 = vector.shape_cast %swap3A_101 : vector<1x16xf32> to vector<16xf32>
    %swap3A_103 = vector.shape_cast %scan3A_7#15 : vector<16xf32> to vector<1x16xf32>
    tpu.vector_store %arg9[%swap3A_99, %swap3A_100], %swap3A_103 {strides = array<i32>} : memref<16x16xf32, #tpu.memory_space<vmem>>, vector<1x16xf32>,
    "tpu.region"() ({
      %run_scoped3A = tpu.sem_alloc : memref<!tpu.dma_semaphore, #tpu.memory_space<semaphore_mem>>
      %dma_start3A = arith.constant 0 : i32
      %dma_start3A_104 = tpu.memref_slice %arg3[%dma_start3A, %mul3A_2] : memref<2x32768xf32, #tpu.memory_space<hbm>> -> memref<2x1024xf32, #tpu.memory_space<hbm>>
      %dma_start3A_105 = arith.constant 0 : i32
      %dma_start3A_106 = tpu.memref_slice %arg3[%dma_start3A_105, %mul3A_2] : memref<2x32768xf32, #tpu.memory_space<hbm>> -> memref<2x1024xf32, #tpu.memory_space<hbm>>
      tpu.enqueue_dma source(%arg7 : memref<2x1024xf32, #tpu.memory_space<vmem>>) target(%dma_start3A_106 : memref<2x1024xf32, #tpu.memory_space<hbm>>) target_semaphore(%run_scoped3A : memref<!tpu.dma_semaphore, #tpu.memory_space<semaphore_mem>>)
      %dma_wait3A = arith.constant 0 : i32
      %dma_wait3A_107 = tpu.memref_slice %arg3[%dma_wait3A, %mul3A_2] : memref<2x32768xf32, #tpu.memory_space<hbm>> -> memref<2x1024xf32, #tpu.memory_space<hbm>>
      %dma_wait3A_108 = arith.constant 0 : i32
      %dma_wait3A_109 = tpu.memref_slice %arg3[%dma_wait3A_108, %mul3A_2] : memref<2x32768xf32, #tpu.memory_space<hbm>> -> memref<2x1024xf32, #tpu.memory_space<hbm>>
      tpu.wait_dma2 semaphore(%run_scoped3A : memref<!tpu.dma_semaphore, #tpu.memory_space<semaphore_mem>>) src(%arg7 : memref<2x1024xf32, #tpu.memory_space<vmem>>) dst(%dma_wait3A_109 : memref<2x1024xf32, #tpu.memory_space<hbm>>)
      tpu.yield
    }) : () -> ()
    "tpu.region"() ({
      %run_scoped3A = tpu.sem_alloc : memref<!tpu.dma_semaphore, #tpu.memory_space<semaphore_mem>>
      %dma_start3A = arith.constant 0 : i32
      %dma_start3A_104 = tpu.memref_slice %arg4[%dma_start3A, %mul3A_2] : memref<2x32768xi32, #tpu.memory_space<hbm>> -> memref<2x1024xi32, #tpu.memory_space<hbm>>
      %dma_start3A_105 = arith.constant 0 : i32
      %dma_start3A_106 = tpu.memref_slice %arg4[%dma_start3A_105, %mul3A_2] : memref<2x32768xi32, #tpu.memory_space<hbm>> -> memref<2x1024xi32, #tpu.memory_space<hbm>>
      tpu.enqueue_dma source(%arg8 : memref<2x1024xi32, #tpu.memory_space<vmem>>) target(%dma_start3A_106 : memref<2x1024xi32, #tpu.memory_space<hbm>>) target_semaphore(%run_scoped3A : memref<!tpu.dma_semaphore, #tpu.memory_space<semaphore_mem>>)
      %dma_wait3A = arith.constant 0 : i32
      %dma_wait3A_107 = tpu.memref_slice %arg4[%dma_wait3A, %mul3A_2] : memref<2x32768xi32, #tpu.memory_space<hbm>> -> memref<2x1024xi32, #tpu.memory_space<hbm>>
      %dma_wait3A_108 = arith.constant 0 : i32
      %dma_wait3A_109 = tpu.memref_slice %arg4[%dma_wait3A_108, %mul3A_2] : memref<2x32768xi32, #tpu.memory_space<hbm>> -> memref<2x1024xi32, #tpu.memory_space<hbm>>
      tpu.wait_dma2 semaphore(%run_scoped3A : memref<!tpu.dma_semaphore, #tpu.memory_space<semaphore_mem>>) src(%arg8 : memref<2x1024xi32, #tpu.memory_space<vmem>>) dst(%dma_wait3A_109 : memref<2x1024xi32, #tpu.memory_space<hbm>>)
      tpu.yield
    }) : () -> ()
    "tpu.region"() ({
      %run_scoped3A = tpu.sem_alloc : memref<!tpu.dma_semaphore, #tpu.memory_space<semaphore_mem>>
      %dma_start3A = arith.constant 0 : i32
      %dma_start3A_104 = arith.constant 0 : i32
      %dma_start3A_105 = tpu.memref_slice %arg5[%add3A, %dma_start3A, %dma_start3A_104] : memref<32x16x16xf32, #tpu.memory_space<hbm>> -> memref<1x16x16xf32, #tpu.memory_space<hbm>>
      %dma_start3A_106 = tpu.memref_squeeze %dma_start3A_105 : memref<1x16x16xf32, #tpu.memory_space<hbm>> -> memref<16x16xf32, #tpu.memory_space<hbm>>
      %dma_start3A_107 = arith.constant 0 : i32
      %dma_start3A_108 = arith.constant 0 : i32
      %dma_start3A_109 = tpu.memref_slice %arg5[%add3A, %dma_start3A_107, %dma_start3A_108] : memref<32x16x16xf32, #tpu.memory_space<hbm>> -> memref<1x16x16xf32, #tpu.memory_space<hbm>>
      %dma_start3A_110 = tpu.memref_squeeze %dma_start3A_109 : memref<1x16x16xf32, #tpu.memory_space<hbm>> -> memref<16x16xf32, #tpu.memory_space<hbm>>
      tpu.enqueue_dma source(%arg9 : memref<16x16xf32, #tpu.memory_space<vmem>>) target(%dma_start3A_110 : memref<16x16xf32, #tpu.memory_space<hbm>>) target_semaphore(%run_scoped3A : memref<!tpu.dma_semaphore, #tpu.memory_space<semaphore_mem>>)
      %dma_wait3A = arith.constant 0 : i32
      %dma_wait3A_111 = arith.constant 0 : i32
      %dma_wait3A_112 = tpu.memref_slice %arg5[%add3A, %dma_wait3A, %dma_wait3A_111] : memref<32x16x16xf32, #tpu.memory_space<hbm>> -> memref<1x16x16xf32, #tpu.memory_space<hbm>>
      %dma_wait3A_113 = tpu.memref_squeeze %dma_wait3A_112 : memref<1x16x16xf32, #tpu.memory_space<hbm>> -> memref<16x16xf32, #tpu.memory_space<hbm>>
      %dma_wait3A_114 = arith.constant 0 : i32
      %dma_wait3A_115 = arith.constant 0 : i32
      %dma_wait3A_116 = tpu.memref_slice %arg5[%add3A, %dma_wait3A_114, %dma_wait3A_115] : memref<32x16x16xf32, #tpu.memory_space<hbm>> -> memref<1x16x16xf32, #tpu.memory_space<hbm>>
      %dma_wait3A_117 = tpu.memref_squeeze %dma_wait3A_116 : memref<1x16x16xf32, #tpu.memory_space<hbm>> -> memref<16x16xf32, #tpu.memory_space<hbm>>
      tpu.wait_dma2 semaphore(%run_scoped3A : memref<!tpu.dma_semaphore, #tpu.memory_space<semaphore_mem>>) src(%arg9 : memref<16x16xf32, #tpu.memory_space<vmem>>) dst(%dma_wait3A_117 : memref<16x16xf32, #tpu.memory_space<hbm>>)
      tpu.yield
    }) : () -> ()
    return
  }
}

module attributes {stable_mosaic.version = 14 : i64} {
  func.func @_logits_kernel(%arg0: i32, %arg1: memref<4096x768xf32, #tpu.memory_space<vmem>>, %arg2: memref<8x768xf32, #tpu.memory_space<vmem>>, %arg3: memref<8x4096xf32, #tpu.memory_space<vmem>>) attributes {dimension_semantics = [#tpu.dimension_semantics<arbitrary>], iteration_bounds = array<i64: 8>, scalar_prefetch = 0 : i64, scratch_operands = 0 : i64, tpu.core_type = #tpu.core_type<tc>, window_params = [{transform_indices = @transform_0, window_bounds = array<i64: 4096, 768>}, {pipeline_mode = #tpu.pipeline_mode<synchronous>, transform_indices = @transform_1, window_bounds = array<i64: 8, 768>}, {transform_indices = @transform_2, window_bounds = array<i64: 8, 4096>}]} {
    %get3A = arith.constant 0 : index
    %get3A_0 = arith.constant 0 : index
    %get3A_1 = vector.load %arg2[%get3A, %get3A_0] : memref<8x768xf32, #tpu.memory_space<vmem>>, vector<8x768xf32>
    %get3A_2 = arith.constant 0 : index
    %get3A_3 = arith.constant 0 : index
    %get3A_4 = vector.load %arg1[%get3A_2, %get3A_3] : memref<4096x768xf32, #tpu.memory_space<vmem>>, vector<4096x768xf32>
    %dot_general3A = arith.constant dense<0.000000e+00> : vector<8x4096xf32>
    %dot_general3A_5 = tpu.matmul %get3A_1, %get3A_4, %dot_general3A {dimension_numbers = #tpu.dot_dimension_numbers<[1], [1], [0], [0], [0, 0, 1, 0], [], []>, transpose_lhs_hint = false} : vector<8x768xf32>, vector<4096x768xf32>, vector<8x4096xf32> -> vector<8x4096xf32>
    %swap3A = arith.constant 0 : index
    %swap3A_6 = arith.constant 0 : index
    %swap3A_7 = vector.load %arg3[%swap3A, %swap3A_6] : memref<8x4096xf32, #tpu.memory_space<vmem>>, vector<8x4096xf32>
    tpu.vector_store %arg3[%swap3A, %swap3A_6], %dot_general3A_5 {strides = array<i32>} : memref<8x4096xf32, #tpu.memory_space<vmem>>, vector<8x4096xf32>,
    return
  }
  func.func @transform_0(%arg0: i32) -> (i32, i32) {
    %c0_i32 = arith.constant 0 : i32
    %c0_i32_0 = arith.constant 0 : i32
    return %arg0, %c0_i32 : i32, i32
  }
  func.func @transform_1(%arg0: i32) -> (i32, i32) {
    %c0_i32 = arith.constant 0 : i32
    %c0_i32_0 = arith.constant 0 : i32
    %c0_i32_1 = arith.constant 0 : i32
    return %c0_i32, %c0_i32_0 : i32, i32
  }
  func.func @transform_2(%arg0: i32) -> (i32, i32) {
    %c0_i32 = arith.constant 0 : i32
    %c0_i32_0 = arith.constant 0 : i32
    return %c0_i32, %arg0 : i32, i32
  }
}

module attributes {stable_mosaic.version = 14 : i64} {
  func.func @_aux_kernel(%arg0: memref<32x16x16xf32, #tpu.memory_space<vmem>>, %arg1: memref<1x1xf32, #tpu.memory_space<vmem>>) attributes {dimension_semantics = [], scalar_prefetch = 0 : i64, scratch_operands = 0 : i64, tpu.core_type = #tpu.core_type<tc>} {
    %get3A = arith.constant 0 : index
    %get3A_0 = arith.constant 0 : index
    %get3A_1 = arith.constant 0 : index
    %get3A_2 = vector.load %arg0[%get3A, %get3A_0, %get3A_1] : memref<32x16x16xf32, #tpu.memory_space<vmem>>, vector<1x16x16xf32>
    %get3A_3 = vector.shape_cast %get3A_2 : vector<1x16x16xf32> to vector<16x16xf32>
    %get3A_4 = arith.constant 1 : index
    %get3A_5 = arith.constant 0 : index
    %get3A_6 = arith.constant 0 : index
    %get3A_7 = vector.load %arg0[%get3A_4, %get3A_5, %get3A_6] : memref<32x16x16xf32, #tpu.memory_space<vmem>>, vector<1x16x16xf32>
    %get3A_8 = vector.shape_cast %get3A_7 : vector<1x16x16xf32> to vector<16x16xf32>
    %add3A = arith.addf %get3A_3, %get3A_8 : vector<16x16xf32>
    %get3A_9 = arith.constant 2 : index
    %get3A_10 = arith.constant 0 : index
    %get3A_11 = arith.constant 0 : index
    %get3A_12 = vector.load %arg0[%get3A_9, %get3A_10, %get3A_11] : memref<32x16x16xf32, #tpu.memory_space<vmem>>, vector<1x16x16xf32>
    %get3A_13 = vector.shape_cast %get3A_12 : vector<1x16x16xf32> to vector<16x16xf32>
    %add3A_14 = arith.addf %add3A, %get3A_13 : vector<16x16xf32>
    %get3A_15 = arith.constant 3 : index
    %get3A_16 = arith.constant 0 : index
    %get3A_17 = arith.constant 0 : index
    %get3A_18 = vector.load %arg0[%get3A_15, %get3A_16, %get3A_17] : memref<32x16x16xf32, #tpu.memory_space<vmem>>, vector<1x16x16xf32>
    %get3A_19 = vector.shape_cast %get3A_18 : vector<1x16x16xf32> to vector<16x16xf32>
    %add3A_20 = arith.addf %add3A_14, %get3A_19 : vector<16x16xf32>
    %get3A_21 = arith.constant 4 : index
    %get3A_22 = arith.constant 0 : index
    %get3A_23 = arith.constant 0 : index
    %get3A_24 = vector.load %arg0[%get3A_21, %get3A_22, %get3A_23] : memref<32x16x16xf32, #tpu.memory_space<vmem>>, vector<1x16x16xf32>
    %get3A_25 = vector.shape_cast %get3A_24 : vector<1x16x16xf32> to vector<16x16xf32>
    %add3A_26 = arith.addf %add3A_20, %get3A_25 : vector<16x16xf32>
    %get3A_27 = arith.constant 5 : index
    %get3A_28 = arith.constant 0 : index
    %get3A_29 = arith.constant 0 : index
    %get3A_30 = vector.load %arg0[%get3A_27, %get3A_28, %get3A_29] : memref<32x16x16xf32, #tpu.memory_space<vmem>>, vector<1x16x16xf32>
    %get3A_31 = vector.shape_cast %get3A_30 : vector<1x16x16xf32> to vector<16x16xf32>
    %add3A_32 = arith.addf %add3A_26, %get3A_31 : vector<16x16xf32>
    %get3A_33 = arith.constant 6 : index
    %get3A_34 = arith.constant 0 : index
    %get3A_35 = arith.constant 0 : index
    %get3A_36 = vector.load %arg0[%get3A_33, %get3A_34, %get3A_35] : memref<32x16x16xf32, #tpu.memory_space<vmem>>, vector<1x16x16xf32>
    %get3A_37 = vector.shape_cast %get3A_36 : vector<1x16x16xf32> to vector<16x16xf32>
    %add3A_38 = arith.addf %add3A_32, %get3A_37 : vector<16x16xf32>
    %get3A_39 = arith.constant 7 : index
    %get3A_40 = arith.constant 0 : index
    %get3A_41 = arith.constant 0 : index
    %get3A_42 = vector.load %arg0[%get3A_39, %get3A_40, %get3A_41] : memref<32x16x16xf32, #tpu.memory_space<vmem>>, vector<1x16x16xf32>
    %get3A_43 = vector.shape_cast %get3A_42 : vector<1x16x16xf32> to vector<16x16xf32>
    %add3A_44 = arith.addf %add3A_38, %get3A_43 : vector<16x16xf32>
    %get3A_45 = arith.constant 8 : index
    %get3A_46 = arith.constant 0 : index
    %get3A_47 = arith.constant 0 : index
    %get3A_48 = vector.load %arg0[%get3A_45, %get3A_46, %get3A_47] : memref<32x16x16xf32, #tpu.memory_space<vmem>>, vector<1x16x16xf32>
    %get3A_49 = vector.shape_cast %get3A_48 : vector<1x16x16xf32> to vector<16x16xf32>
    %add3A_50 = arith.addf %add3A_44, %get3A_49 : vector<16x16xf32>
    %get3A_51 = arith.constant 9 : index
    %get3A_52 = arith.constant 0 : index
    %get3A_53 = arith.constant 0 : index
    %get3A_54 = vector.load %arg0[%get3A_51, %get3A_52, %get3A_53] : memref<32x16x16xf32, #tpu.memory_space<vmem>>, vector<1x16x16xf32>
    %get3A_55 = vector.shape_cast %get3A_54 : vector<1x16x16xf32> to vector<16x16xf32>
    %add3A_56 = arith.addf %add3A_50, %get3A_55 : vector<16x16xf32>
    %get3A_57 = arith.constant 10 : index
    %get3A_58 = arith.constant 0 : index
    %get3A_59 = arith.constant 0 : index
    %get3A_60 = vector.load %arg0[%get3A_57, %get3A_58, %get3A_59] : memref<32x16x16xf32, #tpu.memory_space<vmem>>, vector<1x16x16xf32>
    %get3A_61 = vector.shape_cast %get3A_60 : vector<1x16x16xf32> to vector<16x16xf32>
    %add3A_62 = arith.addf %add3A_56, %get3A_61 : vector<16x16xf32>
    %get3A_63 = arith.constant 11 : index
    %get3A_64 = arith.constant 0 : index
    %get3A_65 = arith.constant 0 : index
    %get3A_66 = vector.load %arg0[%get3A_63, %get3A_64, %get3A_65] : memref<32x16x16xf32, #tpu.memory_space<vmem>>, vector<1x16x16xf32>
    %get3A_67 = vector.shape_cast %get3A_66 : vector<1x16x16xf32> to vector<16x16xf32>
    %add3A_68 = arith.addf %add3A_62, %get3A_67 : vector<16x16xf32>
    %get3A_69 = arith.constant 12 : index
    %get3A_70 = arith.constant 0 : index
    %get3A_71 = arith.constant 0 : index
    %get3A_72 = vector.load %arg0[%get3A_69, %get3A_70, %get3A_71] : memref<32x16x16xf32, #tpu.memory_space<vmem>>, vector<1x16x16xf32>
    %get3A_73 = vector.shape_cast %get3A_72 : vector<1x16x16xf32> to vector<16x16xf32>
    %add3A_74 = arith.addf %add3A_68, %get3A_73 : vector<16x16xf32>
    %get3A_75 = arith.constant 13 : index
    %get3A_76 = arith.constant 0 : index
    %get3A_77 = arith.constant 0 : index
    %get3A_78 = vector.load %arg0[%get3A_75, %get3A_76, %get3A_77] : memref<32x16x16xf32, #tpu.memory_space<vmem>>, vector<1x16x16xf32>
    %get3A_79 = vector.shape_cast %get3A_78 : vector<1x16x16xf32> to vector<16x16xf32>
    %add3A_80 = arith.addf %add3A_74, %get3A_79 : vector<16x16xf32>
    %get3A_81 = arith.constant 14 : index
    %get3A_82 = arith.constant 0 : index
    %get3A_83 = arith.constant 0 : index
    %get3A_84 = vector.load %arg0[%get3A_81, %get3A_82, %get3A_83] : memref<32x16x16xf32, #tpu.memory_space<vmem>>, vector<1x16x16xf32>
    %get3A_85 = vector.shape_cast %get3A_84 : vector<1x16x16xf32> to vector<16x16xf32>
    %add3A_86 = arith.addf %add3A_80, %get3A_85 : vector<16x16xf32>
    %get3A_87 = arith.constant 15 : index
    %get3A_88 = arith.constant 0 : index
    %get3A_89 = arith.constant 0 : index
    %get3A_90 = vector.load %arg0[%get3A_87, %get3A_88, %get3A_89] : memref<32x16x16xf32, #tpu.memory_space<vmem>>, vector<1x16x16xf32>
    %get3A_91 = vector.shape_cast %get3A_90 : vector<1x16x16xf32> to vector<16x16xf32>
    %add3A_92 = arith.addf %add3A_86, %get3A_91 : vector<16x16xf32>
    %get3A_93 = arith.constant 16 : index
    %get3A_94 = arith.constant 0 : index
    %get3A_95 = arith.constant 0 : index
    %get3A_96 = vector.load %arg0[%get3A_93, %get3A_94, %get3A_95] : memref<32x16x16xf32, #tpu.memory_space<vmem>>, vector<1x16x16xf32>
    %get3A_97 = vector.shape_cast %get3A_96 : vector<1x16x16xf32> to vector<16x16xf32>
    %add3A_98 = arith.addf %add3A_92, %get3A_97 : vector<16x16xf32>
    %get3A_99 = arith.constant 17 : index
    %get3A_100 = arith.constant 0 : index
    %get3A_101 = arith.constant 0 : index
    %get3A_102 = vector.load %arg0[%get3A_99, %get3A_100, %get3A_101] : memref<32x16x16xf32, #tpu.memory_space<vmem>>, vector<1x16x16xf32>
    %get3A_103 = vector.shape_cast %get3A_102 : vector<1x16x16xf32> to vector<16x16xf32>
    %add3A_104 = arith.addf %add3A_98, %get3A_103 : vector<16x16xf32>
    %get3A_105 = arith.constant 18 : index
    %get3A_106 = arith.constant 0 : index
    %get3A_107 = arith.constant 0 : index
    %get3A_108 = vector.load %arg0[%get3A_105, %get3A_106, %get3A_107] : memref<32x16x16xf32, #tpu.memory_space<vmem>>, vector<1x16x16xf32>
    %get3A_109 = vector.shape_cast %get3A_108 : vector<1x16x16xf32> to vector<16x16xf32>
    %add3A_110 = arith.addf %add3A_104, %get3A_109 : vector<16x16xf32>
    %get3A_111 = arith.constant 19 : index
    %get3A_112 = arith.constant 0 : index
    %get3A_113 = arith.constant 0 : index
    %get3A_114 = vector.load %arg0[%get3A_111, %get3A_112, %get3A_113] : memref<32x16x16xf32, #tpu.memory_space<vmem>>, vector<1x16x16xf32>
    %get3A_115 = vector.shape_cast %get3A_114 : vector<1x16x16xf32> to vector<16x16xf32>
    %add3A_116 = arith.addf %add3A_110, %get3A_115 : vector<16x16xf32>
    %get3A_117 = arith.constant 20 : index
    %get3A_118 = arith.constant 0 : index
    %get3A_119 = arith.constant 0 : index
    %get3A_120 = vector.load %arg0[%get3A_117, %get3A_118, %get3A_119] : memref<32x16x16xf32, #tpu.memory_space<vmem>>, vector<1x16x16xf32>
    %get3A_121 = vector.shape_cast %get3A_120 : vector<1x16x16xf32> to vector<16x16xf32>
    %add3A_122 = arith.addf %add3A_116, %get3A_121 : vector<16x16xf32>
    %get3A_123 = arith.constant 21 : index
    %get3A_124 = arith.constant 0 : index
    %get3A_125 = arith.constant 0 : index
    %get3A_126 = vector.load %arg0[%get3A_123, %get3A_124, %get3A_125] : memref<32x16x16xf32, #tpu.memory_space<vmem>>, vector<1x16x16xf32>
    %get3A_127 = vector.shape_cast %get3A_126 : vector<1x16x16xf32> to vector<16x16xf32>
    %add3A_128 = arith.addf %add3A_122, %get3A_127 : vector<16x16xf32>
    %get3A_129 = arith.constant 22 : index
    %get3A_130 = arith.constant 0 : index
    %get3A_131 = arith.constant 0 : index
    %get3A_132 = vector.load %arg0[%get3A_129, %get3A_130, %get3A_131] : memref<32x16x16xf32, #tpu.memory_space<vmem>>, vector<1x16x16xf32>
    %get3A_133 = vector.shape_cast %get3A_132 : vector<1x16x16xf32> to vector<16x16xf32>
    %add3A_134 = arith.addf %add3A_128, %get3A_133 : vector<16x16xf32>
    %get3A_135 = arith.constant 23 : index
    %get3A_136 = arith.constant 0 : index
    %get3A_137 = arith.constant 0 : index
    %get3A_138 = vector.load %arg0[%get3A_135, %get3A_136, %get3A_137] : memref<32x16x16xf32, #tpu.memory_space<vmem>>, vector<1x16x16xf32>
    %get3A_139 = vector.shape_cast %get3A_138 : vector<1x16x16xf32> to vector<16x16xf32>
    %add3A_140 = arith.addf %add3A_134, %get3A_139 : vector<16x16xf32>
    %get3A_141 = arith.constant 24 : index
    %get3A_142 = arith.constant 0 : index
    %get3A_143 = arith.constant 0 : index
    %get3A_144 = vector.load %arg0[%get3A_141, %get3A_142, %get3A_143] : memref<32x16x16xf32, #tpu.memory_space<vmem>>, vector<1x16x16xf32>
    %get3A_145 = vector.shape_cast %get3A_144 : vector<1x16x16xf32> to vector<16x16xf32>
    %add3A_146 = arith.addf %add3A_140, %get3A_145 : vector<16x16xf32>
    %get3A_147 = arith.constant 25 : index
    %get3A_148 = arith.constant 0 : index
    %get3A_149 = arith.constant 0 : index
    %get3A_150 = vector.load %arg0[%get3A_147, %get3A_148, %get3A_149] : memref<32x16x16xf32, #tpu.memory_space<vmem>>, vector<1x16x16xf32>
    %get3A_151 = vector.shape_cast %get3A_150 : vector<1x16x16xf32> to vector<16x16xf32>
    %add3A_152 = arith.addf %add3A_146, %get3A_151 : vector<16x16xf32>
    %get3A_153 = arith.constant 26 : index
    %get3A_154 = arith.constant 0 : index
    %get3A_155 = arith.constant 0 : index
    %get3A_156 = vector.load %arg0[%get3A_153, %get3A_154, %get3A_155] : memref<32x16x16xf32, #tpu.memory_space<vmem>>, vector<1x16x16xf32>
    %get3A_157 = vector.shape_cast %get3A_156 : vector<1x16x16xf32> to vector<16x16xf32>
    %add3A_158 = arith.addf %add3A_152, %get3A_157 : vector<16x16xf32>
    %get3A_159 = arith.constant 27 : index
    %get3A_160 = arith.constant 0 : index
    %get3A_161 = arith.constant 0 : index
    %get3A_162 = vector.load %arg0[%get3A_159, %get3A_160, %get3A_161] : memref<32x16x16xf32, #tpu.memory_space<vmem>>, vector<1x16x16xf32>
    %get3A_163 = vector.shape_cast %get3A_162 : vector<1x16x16xf32> to vector<16x16xf32>
    %add3A_164 = arith.addf %add3A_158, %get3A_163 : vector<16x16xf32>
    %get3A_165 = arith.constant 28 : index
    %get3A_166 = arith.constant 0 : index
    %get3A_167 = arith.constant 0 : index
    %get3A_168 = vector.load %arg0[%get3A_165, %get3A_166, %get3A_167] : memref<32x16x16xf32, #tpu.memory_space<vmem>>, vector<1x16x16xf32>
    %get3A_169 = vector.shape_cast %get3A_168 : vector<1x16x16xf32> to vector<16x16xf32>
    %add3A_170 = arith.addf %add3A_164, %get3A_169 : vector<16x16xf32>
    %get3A_171 = arith.constant 29 : index
    %get3A_172 = arith.constant 0 : index
    %get3A_173 = arith.constant 0 : index
    %get3A_174 = vector.load %arg0[%get3A_171, %get3A_172, %get3A_173] : memref<32x16x16xf32, #tpu.memory_space<vmem>>, vector<1x16x16xf32>
    %get3A_175 = vector.shape_cast %get3A_174 : vector<1x16x16xf32> to vector<16x16xf32>
    %add3A_176 = arith.addf %add3A_170, %get3A_175 : vector<16x16xf32>
    %get3A_177 = arith.constant 30 : index
    %get3A_178 = arith.constant 0 : index
    %get3A_179 = arith.constant 0 : index
    %get3A_180 = vector.load %arg0[%get3A_177, %get3A_178, %get3A_179] : memref<32x16x16xf32, #tpu.memory_space<vmem>>, vector<1x16x16xf32>
    %get3A_181 = vector.shape_cast %get3A_180 : vector<1x16x16xf32> to vector<16x16xf32>
    %add3A_182 = arith.addf %add3A_176, %get3A_181 : vector<16x16xf32>
    %get3A_183 = arith.constant 31 : index
    %get3A_184 = arith.constant 0 : index
    %get3A_185 = arith.constant 0 : index
    %get3A_186 = vector.load %arg0[%get3A_183, %get3A_184, %get3A_185] : memref<32x16x16xf32, #tpu.memory_space<vmem>>, vector<1x16x16xf32>
    %get3A_187 = vector.shape_cast %get3A_186 : vector<1x16x16xf32> to vector<16x16xf32>
    %add3A_188 = arith.addf %add3A_182, %get3A_187 : vector<16x16xf32>
    %slice3A = vector.extract_strided_slice %add3A_188 {offsets = [0, 0], sizes = [8, 16], strides = [1, 1]} : vector<16x16xf32> to vector<8x16xf32>
    %reduce_sum3A = arith.constant dense<0.000000e+00> : vector<8xf32>
    %reduce_sum3A_189 = vector.multi_reduction <add>, %slice3A, %reduce_sum3A [1] : vector<8x16xf32> to vector<8xf32>
    %broadcast_in_dim3A = vector.shape_cast %reduce_sum3A_189 : vector<8xf32> to vector<8x1xf32>
    %slice3A_190 = vector.extract_strided_slice %add3A_188 {offsets = [8, 0], sizes = [8, 16], strides = [1, 1]} : vector<16x16xf32> to vector<8x16xf32>
    %reduce_sum3A_191 = arith.constant dense<0.000000e+00> : vector<8xf32>
    %reduce_sum3A_192 = vector.multi_reduction <add>, %slice3A_190, %reduce_sum3A_191 [1] : vector<8x16xf32> to vector<8xf32>
    %broadcast_in_dim3A_193 = vector.shape_cast %reduce_sum3A_192 : vector<8xf32> to vector<8x1xf32>
    %mul3A = arith.mulf %broadcast_in_dim3A, %broadcast_in_dim3A_193 : vector<8x1xf32>
    %reduce_sum3A_194 = arith.constant dense<0.000000e+00> : vector<1xf32>
    %reduce_sum3A_195 = vector.multi_reduction <add>, %mul3A, %reduce_sum3A_194 [0] : vector<8x1xf32> to vector<1xf32>
    %broadcast_in_dim3A_196 = vector.shape_cast %reduce_sum3A_195 : vector<1xf32> to vector<1x1xf32>
    %mul3A_197 = arith.constant 3.72529048E-12 : f32
    %mul3A_198 = vector.broadcast %mul3A_197 : f32 to vector<1x1xf32>
    %mul3A_199 = arith.mulf %broadcast_in_dim3A_196, %mul3A_198 : vector<1x1xf32>
    %swap3A = arith.constant 0 : index
    %swap3A_200 = arith.constant 0 : index
    %swap3A_201 = vector.load %arg1[%swap3A, %swap3A_200] : memref<1x1xf32, #tpu.memory_space<vmem>>, vector<1x1xf32>
    tpu.vector_store %arg1[%swap3A, %swap3A_200], %mul3A_199 {strides = array<i32>} : memref<1x1xf32, #tpu.memory_space<vmem>>, vector<1x1xf32>,
    return
  }
}

</mosaic_0001>

<sc_bundles>
// kernel: kernel.5.cloned.1.call-start
scs
__scs_entry_jumppad:
0x0: {  	(pc) =	sbr.rel $0x88, $3  }
0x1: {  	(tag) =	ssettag $0x0;
	lr =	simm.s32 $0x1  }
0x2: {  	[smem:$0x3F9F] =	sst lr;
	_ =	strace $0xD0000000  }
0x3: {  	_ = 	snop  }
0x4: {  	_ = 	snop  }
0x5: {  	_ = 	snop  }
0x6: {  	_ = 	snop  }
0x7: {  	_ = 	snop  }
__scs_overlays_trampoline_lowered:
0x8: {  	[smem:$0x3FAE] =	sst s0  }
0x9: {  	[smem:$0x3FAF] =	sst s1  }
0xa: {  	[smem:$0x3FB0] =	sst s2  }
0xb: {  	[smem:$0x3FB1] =	sst s3  }
0xc: {  	[smem:$0x3FB2] =	sst s4  }
0xd: {  	[smem:$0x3FB3] =	sst s5  }
0xe: {  	[smem:$0x3FB4] =	sst s6  }
0xf: {  	[smem:$0x3FB5] =	sst s7  }
0x10: {  	[smem:$0x3FB6] =	sst s8  }
0x11: {  	[smem:$0x3FB7] =	sst s9;
	s0 =	simm.s32 @!p0 $0x0  }
0x12: {  	s1 =	sld [smem:$0x3F9D];
	s0 =	simm.s32 @p0 $0x1  }
0x13: {  	[smem:$0x3FB8] =	sst s0;
	s0 =	simm.s32 @!p1 $0x0  }
0x14: {  	s2 =	sld [smem:$0x3F9C];
	s0 =	simm.s32 @p1 $0x1  }
0x15: {  	[smem:$0x3FB9] =	sst s0;
	s0 =	simm.s32 @!p2 $0x0  }
0x16: {  	s3 =	sld [smem:$0x3FDB];
	s0 =	simm.s32 @p2 $0x1  }
0x17: {  	s4 =	simm.s32 $0x1BF5;
	[smem:$0x3FBB] =	sst s0  }
0x18: {  	s0 =	sld [smem:$0x3F9E];
	_ =	swait.ge [sflag:s4], $0x0  }
0x19: {  	s7 =	sld [smem:$0x3F9F]  }
0x1a: {  	s8 =	sadd.s32 $0xFFFFE003, lr  }
0x1b: {  	s9 =	sadd.s32 $0xFFFFFEF7, lr;
	s5 =	simm.s32 $0xFFFFFFFF;
	p2 =	slt.u32 s8, $0xFFFFF086  }
0x1c: {  	p1 =	slt.u32 s9, $0xF7A;
	s5 =	simm.s32 @!p2 $0x0  }
0x1d: {  	s5 =	simm.s32 @p1 $0x1;
	p0 =	seq.s32 s7, s2  }
0x1e: {  	s7 =	smul.u32 @!p0 $0xF7A, s2;
	p2 =	seq.s32 @!p0 s5, $0x0  }
0x1f: {  	s9 =	smul.u32 $0xF7A, s1;
	s8 =	simm.s32 @!p0 $0x1BF5;
	p2 =	por !p2, p0  }
0x20: {  	[sflag:s8] =	ssyncset.s32 @!p0 $0xFFFFF086;
	s6 =	sadd.s32 @!p0 s3, s7;
	s7 =	simm.s32 @!p0 $0x108  }
0x21: {  	s3 =	sadd.s32 s3, s9;
	s6 =	sadd.s32 @!p0 $0x88, s6;
	s7 =	simm.s32 @p2 $0x1082  }
0x22: {  	[simem:s7], [sflag:s8] =	dma.local @!p0 [hbm:s6], $0xF7A  }
0x23: {  	s9 =	sor.u32 $0xD0000000, s2;
	s6 =	simm.s32 $0x108;
	_ =	swait.ge @!p0 [sflag:s8], $0x0  }
0x24: {  	s3 =	sadd.s32 $0x88, s3;
	s6 =	simm.s32 @!p1 $0x1082;
	[sflag:s4] =	ssyncset.s32 $0xFFFFF086  }
0x25: {  	[simem:s6], [sflag:s4] =	dma.local [hbm:s3], $0xF7A  }
0x26: {  	[smem:$0x3F9F] =	sst s1;
	(tag) =	ssettag s2;
	_ =	strace s9  }
0x27: {  	s1 =	sld [smem:$0x3FAF]  }
0x28: {  	s2 =	sld [smem:$0x3FB0]  }
0x29: {  	s4 =	sld [smem:$0x3FB2]  }
0x2a: {  	p0 =	seq.s32 s5, $0x0;
	s5 =	sld [smem:$0x3FB3]  }
0x2b: {  	s6 =	sld [smem:$0x3FB4]  }
0x2c: {  	s7 =	sld [smem:$0x3FB5]  }
0x2d: {  	s3 =	simm.s32 $0x108;
	s8 =	sld [smem:$0x3FB6]  }
0x2e: {  	s3 =	simm.s32 @!p0 $0x1082;
	s9 =	sld [smem:$0x3FB7]  }
0x2f: {  	lr =	sadd.s32 s0, s3;
	s0 =	sld [smem:$0x3FAE]  }
0x30: {  	s3 =	sld [smem:$0x3FB1]  }
0x31: {  	[smem:$0x3FBA] =	sst s10  }
0x32: {  	s10 =	sld [smem:$0x3FB8];
	_ =	sdelay $0x3  }
0x33: {  	p0 =	seq.s32 s10, $0x1;
	s10 =	sld [smem:$0x3FBA];
	_ =	sdelay $0x3  }
0x34: {  	[smem:$0x3FBA] =	sst s10  }
0x35: {  	s10 =	sld [smem:$0x3FB9];
	_ =	sdelay $0x3  }
0x36: {  	p1 =	seq.s32 s10, $0x1;
	s10 =	sld [smem:$0x3FBA];
	_ =	sdelay $0x3  }
0x37: {  	[smem:$0x3FBA] =	sst s10  }
0x38: {  	s10 =	sld [smem:$0x3FBB]  }
0x39: {  	_ = 	snop;
	(pc) =	sbr.ind lr, $3  }
0x3a: {  	_ = 	snop  }
0x3b: {  	_ = 	snop  }
0x3c: {  	p2 =	seq.s32 s10, $0x1;
	s10 =	sld [smem:$0x3FBA]  }
0x3d: {  	_ =	shalt  }
0x3e: {  	_ =	shalt  }
0x3f: {  	_ =	shalt  }
0x40: {  	_ =	shalt  }
0x41: {  	_ =	shalt  }
0x42: {  	_ =	shalt  }
0x43: {  	_ =	shalt  }
0x44: {  	_ =	shalt  }
0x45: {  	_ =	shalt  }
0x46: {  	_ =	shalt  }
0x47: {  	_ =	shalt  }
0x48: {  	_ =	shalt  }
0x49: {  	_ =	shalt  }
0x4a: {  	_ =	shalt  }
0x4b: {  	_ =	shalt  }
0x4c: {  	_ =	shalt  }
0x4d: {  	_ =	shalt  }
0x4e: {  	_ =	shalt  }
0x4f: {  	_ =	shalt  }
0x50: {  	_ =	shalt  }
0x51: {  	_ =	shalt  }
0x52: {  	_ =	shalt  }
0x53: {  	_ =	shalt  }
0x54: {  	_ =	shalt  }
0x55: {  	_ =	shalt  }
0x56: {  	_ =	shalt  }
0x57: {  	_ =	shalt  }
0x58: {  	_ =	shalt  }
0x59: {  	_ =	shalt  }
0x5a: {  	_ =	shalt  }
0x5b: {  	_ =	shalt  }
0x5c: {  	_ =	shalt  }
0x5d: {  	_ =	shalt  }
0x5e: {  	_ =	shalt  }
0x5f: {  	_ =	shalt  }
0x60: {  	_ =	shalt  }
0x61: {  	_ =	shalt  }
0x62: {  	_ =	shalt  }
0x63: {  	_ =	shalt  }
0x64: {  	_ =	shalt  }
0x65: {  	_ =	shalt  }
0x66: {  	_ =	shalt  }
0x67: {  	_ =	shalt  }
0x68: {  	_ =	shalt  }
0x69: {  	_ =	shalt  }
0x6a: {  	_ =	shalt  }
0x6b: {  	_ =	shalt  }
0x6c: {  	_ =	shalt  }
0x6d: {  	_ =	shalt  }
0x6e: {  	_ =	shalt  }
0x6f: {  	_ =	shalt  }
0x70: {  	_ =	shalt  }
0x71: {  	_ =	shalt  }
0x72: {  	_ =	shalt  }
0x73: {  	_ =	shalt  }
0x74: {  	_ =	shalt  }
0x75: {  	_ =	shalt  }
0x76: {  	_ =	shalt  }
0x77: {  	_ =	shalt  }
0x78: {  	_ =	shalt  }
0x79: {  	_ =	shalt  }
0x7a: {  	_ =	shalt  }
0x7b: {  	_ =	shalt  }
0x7c: {  	_ =	shalt  }
0x7d: {  	_ =	shalt  }
0x7e: {  	_ =	shalt  }
0x7f: {  	_ =	shalt  }
0x80: {  	_ =	shalt  }
0x81: {  	_ =	shalt  }
0x82: {  	_ =	shalt  }
0x83: {  	_ =	shalt  }
0x84: {  	_ =	shalt  }
0x85: {  	_ =	shalt  }
0x86: {  	_ =	shalt  }
0x87: {  	_ =	shalt  }
.Lfunc_end0:
.L_simem_size_0:
called_computation_lowered:
.L_overlay_start_0:
0x88: {  	s2 =	sld [smem:$0x3FD9]  }
0x89: {  	s3 =	sld [smem:$0x3FFE];
	_ =	sdelay $0x1  }
0x8a: {  	s1 =	srdreg.scid  }
0x8b: {  	s0 =	sand.u32 $0x1, s1  }
0x8c: {  	s14 =	sshll.u32 s0, $0xA;
	s2 =	sadd.s32 s3, s2  }
0x8d: {  	s2 =	sadd.s32 s2, s14  }
0x8e: {  	[smem:$0x3FC6] =	sst s2  }
0x8f: {  	_ = 	snop  }
0x90: {  	s2 =	sld [smem:$0x3FD0];
	_ =	sdelay $0x2  }
0x91: {  	s15 =	simm.s32 $0xA;
	s4 =	simm.s32 $0x10  }
0x92: {  	[smem:s4], [sflag:s15] =	dma.local [hbm:s2], $0x1  }
0x93: {  	_ =	swait.eq [sflag:s15], $0x1  }
0x94: {  	[sflag:s15] =	ssyncset.done $0x0  }
0x95: {  	s16 =	sld [smem:$0x10];
	[sflag:s15] =	ssyncadd.s32 $0xFFFFFFFF  }
0x96: {  	s17 =	sld [smem:$0x11];
	(tm) =	ssettm $0x1  }
0x97: {  	s18 =	sld [smem:$0x3FFB];
	_ =	sdelay $0x3  }
0x98: {  	_ =	strace s18  }
0x99: {  	s4 =	sld [smem:$0x3FFC];
	_ =	sdelay $0x3  }
0x9a: {  	_ =	strace s4  }
0x9b: {  	s4 =	sld [smem:$0x3FFD];
	_ =	sdelay $0x3  }
0x9c: {  	_ =	strace s4  }
0x9d: {  	_ =	strace $0x8FFFFFFF  }
0x9e: {  	s19 =	sld [smem:$0x3FDB];
	_ =	sdelay $0x1  }
0x9f: {  	s5 =	simm.s32 $_scs_section_size  }
0xa0: {  	s6 =	simm.s32 $_size__tile_overlayer_lowered;
	s7 =	simm.s32 $_tile_overlayer_lowered  }
0xa1: {  	s22 =	simm.s32 $0x1BFF;
	s21 =	sshll.u32 s7, $0x1;
	s4 =	sadd.s32 s5, s19  }
0xa2: {  	s8 =	simm.s32 $0x0;
	s20 =	sshll.u32 s6, $0x1;
	s6 =	sadd.s32 s21, s4  }
0xa3: {  	[timem:s8], [sflag:s22] =	dma.local [hbm:s6], s20  }
0xa4: {  	_ =	swait.ge [sflag:s22], s20  }
0xa5: {  	s5 =	ssub.s32 $0x0, s20;
	[sflag:s22] =	ssyncset.done $0x0  }
0xa6: {  	[sflag:s22] =	ssyncadd.s32 s5;
	_ =	sdelay $0x1  }
0xa7: {  	s23 =	simm.s32 $0x1B8B  }
0xa8: {  	_ =	swait.ge [sflag:s23], $0x1  }
0xa9: {  	[sflag:s23] =	ssyncset.done $0x0  }
0xaa: {  	s25 =	simm.s32 $0x1B8E;
	s24 =	sld [smem:$0x3FFE];
	[sflag:s23] =	ssyncadd.s32 $0xFFFFFFFF  }
0xab: {  	s26 =	simm.s32 $execute0_lowered;
	[smem:$0x3FD2] =	sst s25  }
0xac: {  	s6 =	sshll.u32 s26, $0x1;
	_ =	strace $0x80000046;
	[dreg:$0x1] =	wrdreg $0xFFFFFFFF  }
0xad: {  	s28 =	simm.s32 $_size_execute0_lowered;
	s4 =	sadd.s32 s4, s6;
	[dreg:$0x0] =	wrdreg $0x0  }
0xae: {  	s6 =	sshll.u32 s28, $0x1;
	[dreg:$0x2] =	wrdreg s4  }
0xaf: {  	[dreg:$0x3] =	wrdreg s6  }
0xb0: {  	[dreg:$0x4] =	wrdreg $0xC0  }
0xb1: {  	_ =	task [dreg:s8], $0x5FFFF  }
0xb2: {  	[dreg:$0x1] =	wrdreg $0xFFFFFFFF  }
0xb3: {  	[dreg:$0x0] =	wrdreg $0x60  }
0xb4: {  	[dreg:$0x2] =	wrdreg s24  }
0xb5: {  	[dreg:$0x3] =	wrdreg s16  }
0xb6: {  	[dreg:$0x4] =	wrdreg s17  }
0xb7: {  	[dreg:$0x5] =	wrdreg $0x9  }
0xb8: {  	_ =	task.clear_ibuf [dreg:s8], $0x6FFFF;
	_ =	strace $0x90000046  }
0xb9: {  	s29 =	simm.s32 $0x9;
	_ =	strace $0x80000048  }
0xba: {  	_ =	swait.ge [sflag:s29], $0x1  }
0xbb: {  	[sflag:s29] =	ssyncadd.s32 $0xFFFFFFFF  }
0xbc: {  	_ =	strace $0x90000048  }
0xbd: {  	_ =	sfence  }
0xbe: {  	s30 =	sld [smem:$0x0];
	_ =	sdelay $0x2  }
0xbf: {  	s31 =	sshll.u32 s1, $0xD;
	s1 =	sshrl.u32 s1, $0x2  }
0xc0: {  	s3 =	sand.u32 $0x4000, s31;
	s1 =	sadd.s32 s1, s30  }
0xc1: {  	s0 =	sor.u32 s3, s0;
	s1 =	sshll.u32 s1, $0x11  }
0xc2: {  	s0 =	sor.u32 s1, s0  }
0xc3: {  	s0 =	sadd.s32 $0x8F2B, s0  }
0xc4: {  	[sflag:s0] =	ssyncadd.remote.s32 $0x1  }
0xc5: {  	_ =	sfence.sel $0xFFFF  }
0xc6: {  	[dreg:$0x0] =	wrdreg $0xFFFFFFFF;
	(pc) =	sbr.abs _section_cstart, $3  }
0xc7: {  	[dreg:$0x1] =	wrdreg $0xFFFFFFFF  }
0xc8: {  	_ =	task.clear_ibuf [dreg:s8], $0x2FFFF;
	_ =	strace $0x9FFFFFFF  }
0xc9: {  	(tm) =	ssettm $0x7FFFFFFF  }
tec
execute0_lowered:
.L_overlay_start_1:
0x0: {  	(tag) =	ssettag $0x1  }
0x1: {  	s3 =	rddreg [dreg:$0x0]  }
0x2: {  	s4 =	rddreg [dreg:$0x1]  }
0x3: {  	s5 =	rddreg [dreg:$0x2]  }
0x4: {  	s0 =	rddreg [dreg:$0x3];
	s6 =	srdreg.scid  }
0x5: {  	s1 =	stileid.u32;
	s2 =	simm.s32 $0x0;
	s11 =	simm.s32 $0x3000  }
0x6: {  	s6 =	sand.u32 $0x1, s6;
	s7 =	sshll.u32 s1, $0x1;
	[smem:$0x7FF] =	sst s2  }
0x7: {  	s12 =	simm.s32 $0x0;
	s7 =	sor.u32 s6, s7;
	_ =	strace $0x80000047  }
0x8: {  	s6 =	ssub.s32 $0x2, s6;
	s8 =	sshll.u32 s7, $0xA;
	s7 =	sshll.u32 s7, $0x8  }
0x9: {  	s9 =	sshrl.u32 s6, $0x1;
	s8 =	sadd.s32 s8, s3;
	s10 =	sadd.s32 s7, s3  }
0xa: {  	s9 =	ssub.s32 s6, s9;
	s4 =	sadd.s32 s4, s7;
	s5 =	sadd.s32 s5, s7  }
0xb: {  	s3 =	sadd.s32 $0xE00, s8;
	s6 =	sadd.s32 $0x8E00, s10;
	s7 =	smax.u32 s9, $0x1  }
0xc: {  	v0 =	vimm.s32 $0x0;
	v1 =	vimm.f32 $1.000000000e+00;
	v2 =	vimm.f32 $0.0e+00;
	s8 =	simm.s32 $0x1;
	s9 =	simm.s32 $0x2000;
	s10 =	simm.s32 $0x2800  }
.LBB2_1:
0xd: {  	[tilespmem:s2], [sflag:$0x1] =	stream.linear.gather [hbm4b:s3+s2], $0x2000, $0x38;
	[tilespmem:$0x3800] =	vst v63  }
0xe: {  	s14 =	simm.s32 $0x0;
	_ =	swait.ge [sflag:s8], $0x2000  }
0xf: {  	s13 =	sand.u32 $0x70, s2;
	s14 =	sand.u32 $0x3FFFFC00, s14;
	[sflag:s8] =	ssyncset.done $0x0  }
0x10: {  	s14 =	sor.u32 s13, s14;
	[sflag:s8] =	ssyncadd.s32 $0xFFFFE000  }
0x11: {  	v3 =	vld [tilespmem:s14+$0x0]  }
0x12: {  	v4 =	vld [tilespmem:s14+$0x80];
	_ =	sdelay $0x1  }
0x13: {  	v5 =	vld [tilespmem:s14+$0x100];
	_ =	sdelay $0x1  }
0x14: {  	v6 =	vld [tilespmem:s14+$0x180]  }
0x15: {  	vm2 =	vgt.f32 v4, v3  }
0x16: {  	v7 =	vld [tilespmem:s14+$0x200];
	v8 =	vsel vm2, v4, v3  }
0x17: {  	vm3 =	vgt.f32 v5, v8  }
0x18: {  	v9 =	vld [tilespmem:s14+$0x280];
	v8 =	vsel vm3, v5, v8  }
0x19: {  	vm4 =	vgt.f32 v6, v8  }
0x1a: {  	v10 =	vld [tilespmem:s14+$0x300];
	v8 =	vsel vm4, v6, v8  }
0x1b: {  	vm5 =	vgt.f32 v7, v8  }
0x1c: {  	v11 =	vld [tilespmem:s14+$0x380];
	v8 =	vsel vm5, v7, v8  }
0x1d: {  	vm6 =	vgt.f32 v9, v8  }
0x1e: {  	v8 =	vsel vm6, v9, v8  }
0x1f: {  	vm1 =	vgt.f32 v10, v8  }
0x20: {  	v8 =	vsel vm1, v10, v8  }
0x21: {  	vm0 =	vgt.f32 v11, v8  }
0x22: {  	vm0 =	vmneg vm0  }
0x23: {  	v8 =	vsel vm0, v8, v11  }
0x24: {  	v3 =	vsub.f32 v3, v8;
	_ =	sdelay $0x1  }
0x25: {  	v4 =	vsub.f32 v4, v8;
	v3 =	vmul.f32 $1.442695020e+00, v3;
	_ =	sdelay $0x1  }
0x26: {  	(erf) = vpow2.f32 v3;
	v3 =	vmul.f32 $1.442695020e+00, v4;
	v4 =	vsub.f32 v5, v8  }
0x27: {  	v5 =	vsel vm2, $0x1, v0  }
0x28: {  	(erf) = vpow2.f32 v3;
	v3 =	vmul.f32 $1.442695020e+00, v4;
	v4 =	vsel vm3, $0x2, v5  }
0x29: {  	v4 =	vsel vm4, $0x3, v4  }
0x2a: {  	v4 =	vsel vm5, $0x4, v4  }
0x2b: {  	v5 =	vsub.f32 v6, v8;
	v4 =	vsel vm6, $0x5, v4  }
0x2c: {  	(erf) = vpow2.f32 v3;
	v4 =	vsel vm1, $0x6, v4  }
0x2d: {  	v3 =	vsub.f32 v7, v8;
	v5 =	vmul.f32 $1.442695020e+00, v5  }
0x2e: {  	v6 =	vsub.f32 v9, v8  }
0x2f: {  	v3 =	vmul.f32 $1.442695020e+00, v3;
	(erf) = vpow2.f32 v5;
	v13 =	vnsel vm0, $0x7, v4;
	v4 =	vpop (erf)  }
0x30: {  	v5 =	vsub.f32 v10, v8;
	vm6 =	vne.s32 v13, $0x0;
	vm7 =	vgt.f32 v4, $-1.000000000e+00  }
0x31: {  	v6 =	vmul.f32 $1.442695020e+00, v6;
	(erf) = vpow2.f32 v3;
	vm2 =	vmand vm6, vm7  }
0x32: {  	v5 =	vmul.f32 $1.442695020e+00, v5;
	v3 =	vsub.f32 v11, v8;
	v7 =	vpop (erf);
	v8 =	vnsel vm2, $0xBF800000, v4  }
0x33: {  	vm8 =	vne.s32 v13, $0x1;
	(erf) = vpow2.f32 v6;
	vm9 =	vgt.f32 v7, v8  }
0x34: {  	v6 =	vadd.f32 v7, v4;
	vm3 =	vmand vm8, vm9  }
0x35: {  	v3 =	vmul.f32 $1.442695020e+00, v3;
	v9 =	vpop (erf);
	(erf) = vpow2.f32 v5;
	v5 =	vsel vm3, v7, v8  }
0x36: {  	vm10 =	vne.s32 v13, $0x2;
	v6 =	vadd.f32 v6, v9;
	vm11 =	vgt.f32 v9, v5  }
0x37: {  	(erf) = vpow2.f32 v3;
	vm4 =	vmand vm10, vm11  }
0x38: {  	vm12 =	vne.s32 v13, $0x3;
	v10 =	vpop (erf);
	v3 =	vsel vm4, v9, v5  }
0x39: {  	vm14 =	vne.s32 v13, $0x4;
	v5 =	vadd.f32 v6, v10;
	vm13 =	vgt.f32 v10, v3  }
0x3a: {  	vm15 =	vne.s32 v13, $0x5;
	vm2 =	vmand vm1, vm0;
	v6 =	vpop (erf);
	vm5 =	vmand vm12, vm13  }
0x3b: {  	vm1 =	veq.s32 v13, $0x2;
	v5 =	vadd.f32 v5, v6;
	v3 =	vsel vm5, v10, v3  }
0x3c: {  	v14 =	vsel vm2, $0x3F800000, v2;
	v18 =	vsel vm1, $0x3F800000, v2;
	v11 =	vpop (erf);
	vm7 =	vgt.f32 v6, v3  }
0x3d: {  	vm8 =	veq.s32 v13, $0x4;
	v5 =	vadd.f32 v5, v11;
	vm6 =	vmand vm14, vm7  }
0x3e: {  	v8 =	vsel vm3, $0x1, v0;
	v16 =	vsel vm8, $0x3F800000, v2;
	v12 =	vpop (erf);
	v3 =	vsel vm6, v6, v3  }
0x3f: {  	vm10 =	veq.s32 v13, $0x3;
	v5 =	vadd.f32 v5, v12;
	vm9 =	vgt.f32 v11, v3  }
0x40: {  	v8 =	vsel vm4, $0x2, v8;
	v15 =	vsel vm10, $0x3F800000, v2;
	v20 =	vpop (erf);
	vm3 =	vmand vm15, vm9  }
0x41: {  	vm12 =	veq.s32 v13, $0x0;
	v5 =	vadd.f32 v5, v20;
	v3 =	vsel vm3, v11, v3  }
0x42: {  	s30 =	simm.s32 $0x0;
	vm13 =	veq.s32 v13, $0x1;
	v8 =	vsel vm5, $0x3, v8;
	vm14 =	vgt.f32 v12, v3  }
0x43: {  	s14 =	sand.u32 $0xFFFFFF00, s30;
	v19 =	vsel vm13, $0x3F800000, v2;
	(erf) = vrcp.f32 v5;
	vm5 =	vmneg vm14  }
0x44: {  	s17 =	sor.u32 s13, s14;
	v21 =	vsel vm12, $0x3F800000, v2;
	vm7 =	veq.s32 v13, $0x5;
	vm15 =	vmor vm2, vm5  }
0x45: {  	[tilespmem:s17+$0x2800] =	vst v13;
	v13 =	vimm.f32 $0.0e+00;
	v8 =	vsel vm6, $0x4, v8;
	v3 =	vsel vm15, v3, v12  }
0x46: {  	v17 =	vsel vm7, $0x3F800000, v2;
	v5 =	vsel vm3, $0x5, v8;
	vm6 =	vgt.f32 v20, v3  }
0x47: {  	v8 =	vsel vm0, $0x0, v1;
	v5 =	vnsel vm15, $0x6, v5;
	vm0 =	vmand vm0, vm6  }
0x48: {  	v27 =	vsel vm0, v20, v3;
	v30 =	vsel vm0, $0x7, v5;
	vm9 =	vmor vm0, vm15  }
0x49: {  	v5 =	vsel vm0, $0x3F800000, v2;
	v3 =	vadd.f32 $1.000000000e+00, v27;
	vm10 =	veq.s32 v30, $0x0  }
0x4a: {  	vm11 =	veq.s32 v30, $0x2;
	vm12 =	veq.s32 v30, $0x3;
	vm13 =	veq.s32 v30, $0x4  }
0x4b: {  	vm14 =	veq.s32 v30, $0x1;
	vm15 =	veq.s32 v30, $0x5;
	v23 =	vsel vm11, $0x3F800000, v2  }
0x4c: {  	v26 =	vsel vm10, $0x3F800000, v2;
	v25 =	vsel vm14, $0x3F800000, v2;
	(erf) = vrcp.f32 v3;
	v22 =	vpop (erf)  }
0x4d: {  	v3 =	vadd.f32 v5, v8;
	v5 =	vadd.f32 v23, v18;
	v4 =	vmul.f32 v22, v4  }
0x4e: {  	v18 =	vsel vm9, $0x0, v1;
	v9 =	vmul.f32 v22, v9;
	v7 =	vmul.f32 v22, v7  }
0x4f: {  	v14 =	vadd.f32 v18, v14;
	v18 =	vsel vm13, $0x3F800000, v2;
	v24 =	vmul.f32 v22, v6  }
0x50: {  	v28 =	vmul.f32 v22, v11;
	v3 =	vadd.f32 v3, v2;
	v8 =	vadd.f32 v5, v2  }
0x51: {  	v5 =	vsel vm15, $0x3F800000, v2;
	v23 =	vadd.f32 v18, v16;
	v9 =	vadd.f32 v9, v2  }
0x52: {  	v16 =	vmul.f32 v22, v12;
	v5 =	vadd.f32 v5, v17;
	v12 =	vadd.f32 v4, v2  }
0x53: {  	v11 =	vadd.f32 v7, v2;
	v4 =	vadd.f32 v14, v2;
	v14 =	vsel vm12, $0x3F800000, v2  }
0x54: {  	v18 =	vimm.f32 $0.0e+00;
	v7 =	vadd.f32 v28, v2;
	v28 =	vadd.f32 v14, v15  }
0x55: {  	v14 =	vimm.f32 $0.0e+00;
	v15 =	vimm.f32 $0.0e+00;
	v6 =	vadd.f32 v5, v2;
	v17 =	vpop (erf)  }
0x56: {  	s31 =	simm.s32 $0x10;
	s20 =	simm.s32 $0x2;
	s19 =	simm.s32 $0x80;
	[tilespmem:s17+$0x2880] =	vst v30;
	v5 =	vadd.f32 v16, v2;
	v16 =	vimm.f32 $0.0e+00;
	v29 =	vmul.f32 v17, v27  }
0x57: {  	s15 =	simm.s32 $0x20;
	s14 =	simm.s32 $0x1;
	s13 =	sand.u32 $0x70, s31;
	v27 =	vmul.f32 v22, v10;
	v10 =	vimm.f32 $0.0e+00;
	[tilespmem:s17+$0x2000] =	vst v17;
	v17 =	vimm.f32 $0.0e+00  }
.LBB2_2:
0x58: {  	s18 =	sand.u32 $0x70, s15  }
0x59: {  	s21 =	sand.u32 $0x3FFFFC00, s19;
	v21 =	vadd.f32 v26, v21;
	v14 =	vadd.f32 v24, v14;
	v20 =	vmul.f32 v22, v20;
	s19 =	smov.u32 s20;
	s16 =	sadd.s32 $0x1, s20  }
0x5a: {  	p0 =	sne.s32 s20, $0x3F;
	s20 =	sor.u32 s13, s21;
	[tilespmem:s17+$0x2080] =	vst v29;
	v15 =	vadd.f32 v28, v15;
	v13 =	vadd.f32 v27, v13  }
0x5b: {  	v19 =	vadd.f32 v25, v19;
	v22 =	vld [tilespmem:s20+$0x0];
	v10 =	vadd.f32 v20, v10  }
0x5c: {  	v16 =	vadd.f32 v23, v16;
	v18 =	vadd.f32 v21, v18;
	v20 =	vld [tilespmem:s20+$0x80]  }
0x5d: {  	v17 =	vadd.f32 v19, v17;
	v21 =	vld [tilespmem:s20+$0x100];
	_ =	sdelay $0x1  }
0x5e: {  	v19 =	vld [tilespmem:s20+$0x180];
	_ =	sdelay $0x1  }
0x5f: {  	v23 =	vld [tilespmem:s20+$0x200];
	vm2 =	vgt.f32 v20, v22  }
0x60: {  	v24 =	vsel vm2, v20, v22  }
0x61: {  	v25 =	vld [tilespmem:s20+$0x280];
	vm3 =	vgt.f32 v21, v24  }
0x62: {  	v24 =	vsel vm3, v21, v24  }
0x63: {  	v26 =	vld [tilespmem:s20+$0x300];
	vm4 =	vgt.f32 v19, v24  }
0x64: {  	v24 =	vsel vm4, v19, v24  }
0x65: {  	vm5 =	vgt.f32 v23, v24  }
0x66: {  	v27 =	vld [tilespmem:s20+$0x380];
	v24 =	vsel vm5, v23, v24  }
0x67: {  	vm6 =	vgt.f32 v25, v24  }
0x68: {  	v24 =	vsel vm6, v25, v24  }
0x69: {  	vm7 =	vgt.f32 v26, v24  }
0x6a: {  	v24 =	vsel vm7, v26, v24  }
0x6b: {  	vm0 =	vgt.f32 v27, v24  }
0x6c: {  	vm0 =	vmneg vm0  }
0x6d: {  	v24 =	vsel vm0, v24, v27;
	vm1 =	vmand vm7, vm0  }
0x6e: {  	v22 =	vsub.f32 v22, v24;
	v20 =	vsub.f32 v20, v24  }
0x6f: {  	v21 =	vsub.f32 v21, v24;
	v19 =	vsub.f32 v19, v24  }
0x70: {  	v23 =	vsub.f32 v23, v24;
	v22 =	vmul.f32 $1.442695020e+00, v22;
	v20 =	vmul.f32 $1.442695020e+00, v20  }
0x71: {  	v25 =	vsub.f32 v25, v24;
	v21 =	vmul.f32 $1.442695020e+00, v21;
	v19 =	vmul.f32 $1.442695020e+00, v19  }
0x72: {  	v26 =	vsub.f32 v26, v24;
	v23 =	vmul.f32 $1.442695020e+00, v23;
	(erf) = vpow2.f32 v22  }
0x73: {  	v24 =	vsub.f32 v27, v24;
	v22 =	vmul.f32 $1.442695020e+00, v25  }
0x74: {  	v26 =	vmul.f32 $1.442695020e+00, v26;
	v25 =	vsel vm2, $0x1, v0;
	(erf) = vpow2.f32 v20  }
0x75: {  	v24 =	vmul.f32 $1.442695020e+00, v24;
	v20 =	vsel vm3, $0x2, v25  }
0x76: {  	v20 =	vsel vm4, $0x3, v20  }
0x77: {  	v20 =	vsel vm5, $0x4, v20;
	(erf) = vpow2.f32 v21  }
0x78: {  	s17 =	sshll.u32 s14, $0x5;
	s14 =	smov.u32 s19;
	v20 =	vsel vm6, $0x5, v20  }
0x79: {  	s17 =	sand.u32 $0xFFFFFF00, s17;
	v20 =	vsel vm7, $0x6, v20  }
0x7a: {  	s17 =	sor.u32 s13, s17;
	s13 =	smov.u32 s18;
	v20 =	vnsel vm0, $0x7, v20;
	(erf) = vpow2.f32 v19  }
0x7b: {  	vm5 =	vne.s32 v20, $0x0;
	vm2 =	veq.s32 v20, $0x2;
	vm3 =	veq.s32 v20, $0x4;
	[tilespmem:s17+$0x2800] =	vst v20;
	v25 =	vpop (erf)  }
0x7c: {  	vm4 =	veq.s32 v20, $0x5;
	vm6 =	vgt.f32 v25, $-1.000000000e+00;
	(erf) = vpow2.f32 v23  }
0x7d: {  	vm7 =	vne.s32 v20, $0x1;
	vm6 =	vmand vm5, vm6;
	vm5 =	veq.s32 v20, $0x3;
	v23 =	vpop (erf)  }
0x7e: {  	v21 =	vadd.f32 v23, v25;
	v27 =	vnsel vm6, $0xBF800000, v25;
	(erf) = vpow2.f32 v22  }
0x7f: {  	vm9 =	veq.s32 v20, $0x1;
	vm6 =	veq.s32 v20, $0x0;
	vm8 =	vgt.f32 v23, v27  }
0x80: {  	v19 =	vsel vm9, $0x3F800000, v2;
	vm7 =	vmand vm7, vm8;
	v28 =	vpop (erf);
	(erf) = vpow2.f32 v26  }
0x81: {  	vm8 =	vne.s32 v20, $0x2;
	v22 =	vsel vm7, v23, v27  }
0x82: {  	v21 =	vadd.f32 v21, v28;
	vm9 =	vgt.f32 v28, v22;
	(erf) = vpow2.f32 v24  }
0x83: {  	vm8 =	vmand vm8, vm9;
	v27 =	vpop (erf)  }
0x84: {  	vm9 =	vne.s32 v20, $0x3;
	v21 =	vadd.f32 v21, v27;
	v22 =	vsel vm8, v28, v22  }
0x85: {  	vm10 =	vgt.f32 v27, v22;
	v24 =	vpop (erf)  }
0x86: {  	v21 =	vadd.f32 v21, v24;
	vm9 =	vmand vm9, vm10  }
0x87: {  	v26 =	vsel vm7, $0x1, v0;
	vm7 =	vne.s32 v20, $0x4;
	v22 =	vsel vm9, v27, v22;
	v29 =	vpop (erf)  }
0x88: {  	v26 =	vsel vm8, $0x2, v26;
	v21 =	vadd.f32 v21, v29;
	vm8 =	vgt.f32 v24, v22  }
0x89: {  	v26 =	vsel vm9, $0x3, v26;
	vm7 =	vmand vm7, vm8;
	vm8 =	vne.s32 v20, $0x5;
	v30 =	vpop (erf)  }
0x8a: {  	v21 =	vadd.f32 v21, v30;
	v22 =	vsel vm7, v24, v22;
	v26 =	vsel vm7, $0x4, v26  }
0x8b: {  	vm7 =	vgt.f32 v29, v22;
	v20 =	vpop (erf)  }
0x8c: {  	v21 =	vadd.f32 v21, v20;
	vm7 =	vmand vm8, vm7  }
0x8d: {  	v22 =	vsel vm7, v29, v22;
	v26 =	vsel vm7, $0x5, v26  }
0x8e: {  	vm7 =	vgt.f32 v30, v22;
	(erf) = vrcp.f32 v21  }
0x8f: {  	vm7 =	vmneg vm7  }
0x90: {  	v32 =	vsel vm0, $0x0, v1;
	v31 =	vsel vm1, $0x3F800000, v2;
	vm7 =	vmor vm1, vm7  }
0x91: {  	v33 =	vsel vm5, $0x3F800000, v2;
	v21 =	vsel vm6, $0x3F800000, v2;
	v22 =	vsel vm7, v22, v30  }
0x92: {  	v34 =	vsel vm3, $0x3F800000, v2;
	v35 =	vsel vm4, $0x3F800000, v2;
	vm1 =	vgt.f32 v20, v22  }
0x93: {  	v36 =	vsel vm2, $0x3F800000, v2;
	v26 =	vnsel vm7, $0x6, v26;
	vm0 =	vmand vm0, vm1  }
0x94: {  	v37 =	vsel vm0, v20, v22;
	v26 =	vsel vm0, $0x7, v26;
	vm2 =	vmor vm0, vm7  }
0x95: {  	v40 =	vsel vm0, $0x3F800000, v2;
	v38 =	vadd.f32 $1.000000000e+00, v37;
	[tilespmem:s17+$0x2880] =	vst v26;
	vm1 =	veq.s32 v26, $0x0  }
0x96: {  	vm3 =	veq.s32 v26, $0x2;
	vm0 =	veq.s32 v26, $0x3;
	v32 =	vadd.f32 v40, v32  }
0x97: {  	v39 =	vsel vm3, $0x3F800000, v2;
	vm3 =	veq.s32 v26, $0x4;
	v22 =	vpop (erf);
	(erf) = vrcp.f32 v38  }
0x98: {  	vm4 =	veq.s32 v26, $0x1;
	v36 =	vadd.f32 v39, v36;
	v25 =	vmul.f32 v22, v25  }
0x99: {  	vm5 =	veq.s32 v26, $0x5;
	v3 =	vadd.f32 v32, v3;
	v28 =	vmul.f32 v22, v28  }
0x9a: {  	v26 =	vsel vm5, $0x3F800000, v2;
	v32 =	vsel vm2, $0x0, v1;
	v8 =	vadd.f32 v36, v8  }
0x9b: {  	v36 =	vmul.f32 v22, v23;
	v9 =	vadd.f32 v28, v9;
	v28 =	vadd.f32 v32, v31  }
0x9c: {  	v24 =	vmul.f32 v22, v24;
	v29 =	vmul.f32 v22, v29;
	v23 =	vsel vm3, $0x3F800000, v2  }
.Ltmp0:
0x9d: {  	v30 =	vmul.f32 v22, v30;
	v23 =	vadd.f32 v23, v34;
	v31 =	vadd.f32 v26, v35;
	(pc) =	sbr.rel @p0 .LBB2_2-.Ltmp0, $4  }
0x9e: {  	v26 =	vsel vm1, $0x3F800000, v2;
	v12 =	vadd.f32 v25, v12;
	v11 =	vadd.f32 v36, v11  }
0x9f: {  	v25 =	vsel vm4, $0x3F800000, v2;
	v6 =	vadd.f32 v31, v6;
	v4 =	vadd.f32 v28, v4  }
0xa0: {  	v7 =	vadd.f32 v29, v7;
	v5 =	vadd.f32 v30, v5;
	v28 =	vsel vm0, $0x3F800000, v2;
	v29 =	vpop (erf)  }
0xa1: {  	s15 =	sadd.s32 $0x10, s15;
	s19 =	sshll.u32 s14, $0x7;
	s20 =	smov.u32 s16;
	v27 =	vmul.f32 v22, v27;
	v28 =	vadd.f32 v28, v33;
	[tilespmem:s17+$0x2000] =	vst v29;
	v29 =	vmul.f32 v29, v37  }
0xa2: {  	s15 =	sand.u32 $0x3FFFFC00, s19  }
0xa3: {  	s15 =	sor.u32 s13, s15;
	[tilespmem:s17+$0x2080] =	vst v29  }
0xa4: {  	v29 =	vld [tilespmem:s15+$0x0]  }
0xa5: {  	v30 =	vld [tilespmem:s15+$0x80];
	_ =	sdelay $0x1  }
0xa6: {  	v31 =	vld [tilespmem:s15+$0x100];
	_ =	sdelay $0x1  }
0xa7: {  	v32 =	vld [tilespmem:s15+$0x180]  }
0xa8: {  	vm2 =	vgt.f32 v30, v29  }
0xa9: {  	v33 =	vld [tilespmem:s15+$0x200];
	v34 =	vsel vm2, v30, v29  }
0xaa: {  	vm3 =	vgt.f32 v31, v34  }
0xab: {  	v35 =	vld [tilespmem:s15+$0x280];
	v34 =	vsel vm3, v31, v34  }
0xac: {  	vm4 =	vgt.f32 v32, v34  }
0xad: {  	v36 =	vld [tilespmem:s15+$0x300];
	v34 =	vsel vm4, v32, v34  }
0xae: {  	vm5 =	vgt.f32 v33, v34  }
0xaf: {  	v37 =	vld [tilespmem:s15+$0x380];
	v34 =	vsel vm5, v33, v34  }
0xb0: {  	vm6 =	vgt.f32 v35, v34  }
0xb1: {  	v34 =	vsel vm6, v35, v34  }
0xb2: {  	vm1 =	vgt.f32 v36, v34  }
0xb3: {  	v34 =	vsel vm1, v36, v34  }
0xb4: {  	vm0 =	vgt.f32 v37, v34  }
0xb5: {  	vm0 =	vmneg vm0  }
0xb6: {  	v34 =	vsel vm0, v34, v37  }
0xb7: {  	v29 =	vsub.f32 v29, v34;
	_ =	sdelay $0x1  }
0xb8: {  	v29 =	vmul.f32 $1.442695020e+00, v29  }
0xb9: {  	v30 =	vsub.f32 v30, v34  }
0xba: {  	(erf) = vpow2.f32 v29  }
0xbb: {  	v63 =	vmul.f32 $1.442695020e+00, v30  }
0xbc: {  	v38 =	vsub.f32 v31, v34  }
0xbd: {  	v39 =	vsel vm2, $0x1, v0;
	(erf) = vpow2.f32 v63  }
0xbe: {  	v41 =	vsel vm3, $0x2, v39;
	v40 =	vmul.f32 $1.442695020e+00, v38  }
0xbf: {  	v42 =	vsub.f32 v32, v34;
	v30 =	vsel vm4, $0x3, v41  }
0xc0: {  	v30 =	vsel vm5, $0x4, v30;
	(erf) = vpow2.f32 v40  }
0xc1: {  	v43 =	vmul.f32 $1.442695020e+00, v42;
	v30 =	vsel vm6, $0x5, v30  }
0xc2: {  	v44 =	vsub.f32 v33, v34;
	v30 =	vsel vm1, $0x6, v30  }
0xc3: {  	v30 =	vnsel vm0, $0x7, v30;
	(erf) = vpow2.f32 v43;
	v45 =	vpop (erf)  }
0xc4: {  	v31 =	vmul.f32 $1.442695020e+00, v44;
	vm15 =	vne.s32 v30, $0x0;
	vm6 =	vgt.f32 v45, $-1.000000000e+00  }
0xc5: {  	v46 =	vsub.f32 v35, v34;
	vm2 =	vmand vm15, vm6  }
0xc6: {  	v49 =	vsub.f32 v36, v34;
	(erf) = vpow2.f32 v31;
	v47 =	vpop (erf);
	v48 =	vnsel vm2, $0xBF800000, v45  }
0xc7: {  	v32 =	vmul.f32 $1.442695020e+00, v46;
	vm7 =	vne.s32 v30, $0x1;
	vm8 =	vgt.f32 v47, v48  }
0xc8: {  	v35 =	vmul.f32 $1.442695020e+00, v49;
	vm3 =	vmand vm7, vm8  }
0xc9: {  	(erf) = vpow2.f32 v32;
	v50 =	vpop (erf);
	v33 =	vsel vm3, v47, v48  }
0xca: {  	vm9 =	vne.s32 v30, $0x2;
	vm10 =	vgt.f32 v50, v33  }
0xcb: {  	vm4 =	vmand vm9, vm10  }
0xcc: {  	v34 =	vsub.f32 v37, v34;
	(erf) = vpow2.f32 v35;
	v35 =	vpop (erf);
	v33 =	vsel vm4, v50, v33  }
0xcd: {  	vm11 =	vne.s32 v30, $0x3;
	vm12 =	vgt.f32 v35, v33  }
0xce: {  	v34 =	vmul.f32 $1.442695020e+00, v34;
	vm5 =	vmand vm11, vm12  }
0xcf: {  	vm13 =	vne.s32 v30, $0x4;
	v37 =	vpop (erf);
	v33 =	vsel vm5, v35, v33  }
0xd0: {  	v51 =	vadd.f32 v47, v45;
	(erf) = vpow2.f32 v34;
	vm14 =	vgt.f32 v37, v33  }
0xd1: {  	vm6 =	vmand vm13, vm14  }
0xd2: {  	v52 =	vadd.f32 v51, v50;
	v36 =	vpop (erf);
	v33 =	vsel vm6, v37, v33  }
0xd3: {  	vm15 =	vne.s32 v30, $0x5;
	vm7 =	vgt.f32 v36, v33  }
0xd4: {  	v34 =	vadd.f32 v52, v35;
	vm8 =	vmand vm15, vm7  }
0xd5: {  	v38 =	vpop (erf);
	v33 =	vsel vm8, v36, v33  }
0xd6: {  	v34 =	vadd.f32 v34, v37;
	vm9 =	vgt.f32 v38, v33  }
0xd7: {  	vm7 =	vmand vm1, vm0;
	vm10 =	vmneg vm9  }
0xd8: {  	v34 =	vadd.f32 v34, v36;
	vm2 =	vmor vm7, vm10  }
0xd9: {  	v39 =	vpop (erf);
	v33 =	vsel vm2, v33, v38  }
0xda: {  	v34 =	vadd.f32 v34, v38;
	vm11 =	vgt.f32 v39, v33  }
0xdb: {  	vm1 =	vmand vm0, vm11  }
0xdc: {  	v21 =	vadd.f32 v26, v21;
	v53 =	vadd.f32 v34, v39;
	v33 =	vsel vm1, v39, v33  }
0xdd: {  	v14 =	vadd.f32 v24, v14;
	v54 =	vadd.f32 $1.000000000e+00, v33  }
0xde: {  	v20 =	vmul.f32 v22, v20;
	v19 =	vadd.f32 v25, v19;
	(erf) = vrcp.f32 v53  }
0xdf: {  	v16 =	vadd.f32 v23, v16;
	v55 =	vsel vm3, $0x1, v0;
	(erf) = vrcp.f32 v54  }
0xe0: {  	v15 =	vadd.f32 v28, v15;
	v13 =	vadd.f32 v27, v13;
	v56 =	vsel vm4, $0x2, v55  }
0xe1: {  	v18 =	vadd.f32 v21, v18;
	v17 =	vadd.f32 v19, v17;
	v57 =	vsel vm5, $0x3, v56  }
0xe2: {  	vm3 =	veq.s32 v30, $0x2;
	vm12 =	veq.s32 v30, $0x4;
	v19 =	vsel vm6, $0x4, v57  }
0xe3: {  	v41 =	vsel vm3, $0x3F800000, v2;
	v61 =	vsel vm12, $0x3F800000, v2;
	v19 =	vsel vm8, $0x5, v19  }
0xe4: {  	vm13 =	veq.s32 v30, $0x5;
	vm14 =	veq.s32 v30, $0x3;
	v19 =	vnsel vm2, $0x6, v19  }
0xe5: {  	s14 =	sshll.u32 s14, $0x5;
	v60 =	vsel vm14, $0x3F800000, v2;
	v62 =	vsel vm13, $0x3F800000, v2;
	v19 =	vsel vm1, $0x7, v19  }
0xe6: {  	s14 =	sand.u32 $0xFFFFFF00, s14;
	vm15 =	veq.s32 v30, $0x0;
	v22 =	vsel vm7, $0x3F800000, v2;
	vm10 =	veq.s32 v19, $0x0  }
0xe7: {  	s31 =	sor.u32 s13, s14;
	v59 =	vsel vm15, $0x3F800000, v2;
	vm9 =	veq.s32 v30, $0x1;
	v40 =	vsel vm10, $0x3F800000, v2;
	v63 =	vpop (erf)  }
0xe8: {  	[tilespmem:s31+$0x2800] =	vst v30;
	v58 =	vsel vm9, $0x3F800000, v2;
	vm11 =	veq.s32 v19, $0x1;
	v23 =	vadd.f32 v40, v59;
	v42 =	vpop (erf)  }
0xe9: {  	[tilespmem:s31+$0x2880] =	vst v19;
	v44 =	vsel vm11, $0x3F800000, v2;
	v43 =	vmul.f32 v63, v45;
	v33 =	vmul.f32 v42, v33  }
0xea: {  	vm12 =	veq.s32 v19, $0x2;
	v21 =	vadd.f32 v44, v58;
	v18 =	vadd.f32 v23, v18;
	[tilespmem:s31+$0x2000] =	vst v42  }
0xeb: {  	v45 =	vsel vm12, $0x3F800000, v2;
	v46 =	vmul.f32 v63, v47;
	v12 =	vadd.f32 v43, v12;
	[tilespmem:s31+$0x2080] =	vst v33  }
0xec: {  	vm2 =	vmor vm1, vm2;
	v17 =	vadd.f32 v21, v17;
	v23 =	vadd.f32 v45, v41;
	[tilespmem:$0x3000] =	vst v18  }
0xed: {  	vm14 =	veq.s32 v19, $0x4;
	v47 =	vmul.f32 v63, v50;
	v11 =	vadd.f32 v46, v11;
	[tilespmem:$0x3400] =	vst v12  }
0xee: {  	v50 =	vsel vm14, $0x3F800000, v2;
	v51 =	vmul.f32 v63, v35;
	v8 =	vadd.f32 v23, v8;
	[tilespmem:$0x3080] =	vst v17  }
0xef: {  	vm13 =	veq.s32 v19, $0x3;
	v52 =	vadd.f32 v50, v61;
	v9 =	vadd.f32 v47, v9;
	[tilespmem:$0x3480] =	vst v11  }
0xf0: {  	vm15 =	veq.s32 v19, $0x5;
	v54 =	vmul.f32 v63, v37;
	v13 =	vadd.f32 v51, v13;
	[tilespmem:$0x3100] =	vst v8  }
0xf1: {  	v48 =	vsel vm13, $0x3F800000, v2;
	v57 =	vmul.f32 v63, v36;
	v55 =	vadd.f32 v52, v16;
	[tilespmem:$0x3500] =	vst v9  }
0xf2: {  	v49 =	vadd.f32 v48, v60;
	v60 =	vmul.f32 v63, v38;
	v14 =	vadd.f32 v54, v14;
	[tilespmem:$0x3580] =	vst v13  }
0xf3: {  	v56 =	vsel vm2, $0x0, v1;
	v53 =	vsel vm15, $0x3F800000, v2;
	v7 =	vadd.f32 v57, v7;
	[tilespmem:$0x3200] =	vst v55  }
0xf4: {  	v58 =	vsel vm0, $0x0, v1;
	v5 =	vadd.f32 v60, v5;
	v8 =	vadd.f32 v53, v62;
	[tilespmem:$0x3600] =	vst v14  }
0xf5: {  	v59 =	vsel vm1, $0x3F800000, v2;
	v12 =	vadd.f32 v49, v15;
	v11 =	vadd.f32 v56, v22;
	[tilespmem:$0x3680] =	vst v7  }
0xf6: {  	v61 =	vadd.f32 v20, v10;
	v62 =	vmul.f32 v63, v39;
	[tilespmem:$0x3700] =	vst v5;
	v6 =	vadd.f32 v8, v6  }
0xf7: {  	[tilespmem:$0x3180] =	vst v12;
	v8 =	vadd.f32 v59, v58;
	v4 =	vadd.f32 v11, v4  }
0xf8: {  	v63 =	vadd.f32 v62, v61;
	[tilespmem:$0x3280] =	vst v6  }
0xf9: {  	v3 =	vadd.f32 v8, v3;
	[tilespmem:$0x3300] =	vst v4  }
0xfa: {  	[tilespmem:$0x3780] =	vst v63  }
0xfb: {  	[tilespmem:$0x3380] =	vst v3  }
0xfc: {  	[hbm4b:s4+s2] =	stream.linear.scatter [tilespmem:s9], [sflag:$0x1], $0x800, $0x38;
	[tilespmem:$0x3800] =	vst v63  }
0xfd: {  	_ =	swait.ge [sflag:s8], $0x800  }
0xfe: {  	[sflag:s8] =	ssyncset.done $0x0  }
0xff: {  	[sflag:s8] =	ssyncadd.s32 $0xFFFFF800  }
0x100: {  	[hbm4b:s5+s2] =	stream.linear.scatter [tilespmem:s10], [sflag:$0x1], $0x800, $0x38;
	[tilespmem:$0x3800] =	vst v63  }
0x101: {  	s12 =	sadd.s32 $0x1, s12;
	_ =	swait.ge [sflag:s8], $0x800  }
0x102: {  	p0 =	sne.s32 s12, s7;
	[sflag:s8] =	ssyncset.done $0x0  }
.Ltmp1:
0x103: {  	[sflag:s8] =	ssyncadd.s32 $0xFFFFF800;
	(pc) =	sbr.rel @p0 .LBB2_1-.Ltmp1, $4  }
0x104: {  	[hbm4b:s6+s2] =	stream.linear.scatter [tilespmem:s11], [sflag:$0x1], $0x800, $0x38;
	[tilespmem:$0x3800] =	vst v63  }
0x105: {  	_ =	swait.ge [sflag:s8], $0x800  }
0x106: {  	[sflag:s8] =	ssyncset.done $0x0  }
0x107: {  	[sflag:s8] =	ssyncadd.s32 $0xFFFFF800  }
0x108: {  	_ =	sfence.sel $0x180000  }
0x109: {  	[bflag:$0x0] =	sbarrier.arrive $0xFFFF  }
0x10a: {  	p0 =	sne.s32 s1, $0x0;
	_ =	strace $0x90000047  }
0x10b: {  	s0 =	sadd.s32 @!p0 $0x100000, s0;
	[bflag:$0x2] =	sbarrier.arrive $0xFFFF  }
0x10c: {  	[sflag:s0] =	ssyncadd.tile.s32 @!p0 $0x1;
	_ =	shalt  }
.Lfunc_end2:
_tile_overlayer_lowered:
.L_overlay_start_2:
0x10d: {  	(tag) =	ssettag $0x2  }
0x10e: {  	s0 =	rddreg [dreg:$0x0];
	s2 =	stileid.u32  }
0x10f: {  	s1 =	rddreg [dreg:$0x1];
	p0 =	sne.s32 s2, $0x0  }
0x110: {  	s3 =	rddreg [dreg:$0x2];
	[bflag:$0x3] =	sbarrier.arrive $0xFFFF;
	s2 =	simm.s32 @!p0 $0x1C01  }
0x111: {  	[timem:s3], [sflag:s2] =	dma.local @!p0 [hbm:s0], s1  }
0x112: {  	s0 =	simm.s32 @!p0 $0x1  }
0x113: {  	_ =	swait.ge @!p0 [sflag:s0], s1  }
0x114: {  	s1 =	ssub.s32 @!p0 $0x0, s1;
	[sflag:s0] =	ssyncset.done @!p0 $0x0  }
0x115: {  	[sflag:s0] =	ssyncadd.s32 @!p0 s1  }
0x116: {  	[bflag:$0x3] =	sbarrier.arrive $0xFFFF  }
0x117: {  	_ =	shalt  }

</sc_bundles>
